<compile_context>
chip_gen: v7x
topology: tpu7x:2x2x1
jax: 0.10.2.dev20260603
libtpu: 0.0.44.dev20260713+nightly
codegen_flags: <defaults>
</compile_context>

<pallas_src>
import dataclasses
import functools

import jax
import jax.numpy as jnp
from jax import lax
from jax.experimental import pallas as pl
from jax.experimental.pallas import tpu as pltpu
from jax.experimental.pallas import tpu_sc as plsc

N_NODES = 10000
N_EDGES = 320000
D = 128
G = 64

NC = 2
NS = 16
NW = NC * NS
EPT = N_EDGES // NW
K = 80
CHUNKS = EPT // K
NP = 10240
RPT = NP // NS

_mesh = plsc.VectorSubcoreMesh(core_axis_name="c", subcore_axis_name="s")


_cp = pltpu.CompilerParams()
if "needs_layout_passes" in pltpu.CompilerParams.__dataclass_fields__:
    _cp = dataclasses.replace(_cp, needs_layout_passes=False)


@functools.partial(
    pl.kernel,
    mesh=_mesh,
    compiler_params=_cp,
    out_type=jax.ShapeDtypeStruct((NW * NP,), jnp.float32),
    scratch_types=[
        pltpu.VMEM((EPT,), jnp.int32),
        pltpu.VMEM((NP,), jnp.float32),
    ],
)
def _sc_degree(dst_hbm, zeros_hbm, out_hbm, dsts_v, cnt_v):
    cid = lax.axis_index("c")
    sid = lax.axis_index("s")
    wid = sid * NC + cid
    base = pl.multiple_of(wid * EPT, 8)
    pltpu.sync_copy(dst_hbm.at[pl.ds(base, EPT)], dsts_v)
    pltpu.sync_copy(zeros_hbm, cnt_v)
    ones = jnp.ones((16,), jnp.float32)

    def body(j, c):
        idx = dsts_v[pl.ds(j * 16, 16)]
        plsc.addupdate_scatter(cnt_v, [idx], ones)
        return c

    lax.fori_loop(0, EPT // 16, body, 0)
    out0 = pl.multiple_of(wid * NP, 8)
    pltpu.sync_copy(cnt_v, out_hbm.at[pl.ds(out0, NP)])


@functools.partial(
    pl.kernel,
    mesh=_mesh,
    out_type=jax.ShapeDtypeStruct((NC * NP, D), jnp.float32),
    scratch_types=[
        pltpu.VMEM((EPT,), jnp.int32),
        pltpu.VMEM((CHUNKS, K), jnp.int32),
        pltpu.VMEM((K, D), jnp.float32),
        pltpu.VMEM((K, D), jnp.float32),
        pltpu.VMEM_SHARED((NP, D), jnp.float32),
        pltpu.SemaphoreType.DMA,
        pltpu.SemaphoreType.DMA,
    ],
)
def _sc_scatter(hp_hbm, src_hbm, dst_hbm, zeros_hbm, out_hbm,
                srcs_v, dsts_v, rows0_v, rows1_v, acc_sh, sem0, sem1):
    cid = lax.axis_index("c")
    sid = lax.axis_index("s")
    wid = sid * NC + cid
    row0 = pl.multiple_of(sid * RPT, 8)
    base = pl.multiple_of(wid * EPT, 8)
    pltpu.sync_copy(src_hbm.at[pl.ds(base, EPT)], srcs_v)
    pltpu.sync_copy(dst_hbm.at[wid], dsts_v)
    pltpu.sync_copy(zeros_hbm, acc_sh.at[pl.ds(row0, RPT)])
    plsc.subcore_barrier()

    def src_at(i):
        return srcs_v.at[pl.ds(pl.multiple_of(i * K, 8), K)]

    pltpu.async_copy(hp_hbm.at[src_at(0)], rows0_v, sem0)

    def body(q, c):
        i0 = 2 * q
        i1 = i0 + 1
        i2 = i0 + 2
        pltpu.async_copy(hp_hbm.at[src_at(i1)], rows1_v, sem1)
        pltpu.make_async_copy(hp_hbm.at[src_at(i0)], rows0_v, sem0).wait()
        pltpu.sync_copy(rows0_v, acc_sh.at[dsts_v.at[i0]], add=True)
        pltpu.async_copy(hp_hbm.at[src_at(i2)], rows0_v, sem0)
        pltpu.make_async_copy(hp_hbm.at[src_at(i1)], rows1_v, sem1).wait()
        pltpu.sync_copy(rows1_v, acc_sh.at[dsts_v.at[i1]], add=True)
        return c

    lax.fori_loop(0, (CHUNKS - 1) // 2, body, 0)
    last = CHUNKS - 1
    pltpu.make_async_copy(hp_hbm.at[src_at(last)], rows0_v, sem0).wait()
    pltpu.sync_copy(rows0_v, acc_sh.at[dsts_v.at[last]], add=True)
    plsc.subcore_barrier()
    out_row0 = pl.multiple_of(cid * NP + sid * RPT, 8)
    pltpu.sync_copy(acc_sh.at[pl.ds(row0, RPT)], out_hbm.at[pl.ds(out_row0, RPT)])


def _dis_from_parts(parts_ref):
    ones = jnp.ones((NW, 1), jnp.float32)
    deg = lax.dot_general(parts_ref[...], ones, (((0,), (0,)), ((), ())),
                          preferred_element_type=jnp.float32)
    return lax.rsqrt(deg[0:N_NODES] + 1.0)


def _tc_prescale(x_ref, w_ref, parts_ref, out_ref):
    dis = _dis_from_parts(parts_ref)
    h = jnp.dot(x_ref[...], w_ref[...], preferred_element_type=jnp.float32)
    out_ref[...] = h * dis


def _tc_mid(s_ref, hp_ref, parts_ref, b_ref, w_ref, out_ref):
    dis = _dis_from_parts(parts_ref)
    s = s_ref[0:N_NODES] + s_ref[NP:NP + N_NODES] + hp_ref[...]
    h = jnp.maximum(dis * s + b_ref[...], 0.0)
    out_ref[...] = jnp.dot(h, w_ref[...], preferred_element_type=jnp.float32) * dis


def _tc_head(s_ref, hp_ref, parts_ref, b_ref, batch_ref, wl_ref, bl_ref, out_ref):
    dis = _dis_from_parts(parts_ref)
    s = s_ref[0:N_NODES] + s_ref[NP:NP + N_NODES] + hp_ref[...]
    h = jnp.maximum(dis * s + b_ref[...], 0.0)
    gid = lax.broadcasted_iota(jnp.int32, (G, N_NODES), 0)
    p = (gid == batch_ref[...]).astype(jnp.float32)
    sums = jnp.dot(p, h, preferred_element_type=jnp.float32)
    counts = jnp.sum(p, axis=1, keepdims=True)
    g = sums / jnp.maximum(counts, 1.0)
    logit = jnp.dot(g, wl_ref[...], preferred_element_type=jnp.float32) + bl_ref[...]
    out_ref[...] = 1.0 / (1.0 + jnp.exp(-logit))


def kernel(x, edge_index, batch, W1, b1, W2, b2, Wl, bl):
    src = edge_index[0].astype(jnp.int32)
    dst = edge_index[1].astype(jnp.int32)
    dst3d = dst.reshape(NW, CHUNKS, K)
    batch2d = batch.astype(jnp.int32).reshape(1, N_NODES)
    zeros_cnt = jnp.zeros((NP,), jnp.float32)
    zeros_feat = jnp.zeros((RPT, D), jnp.float32)
    f32 = jnp.float32

    parts = _sc_degree(dst, zeros_cnt).reshape(NW, NP)

    h1p = pl.pallas_call(
        _tc_prescale, out_shape=jax.ShapeDtypeStruct((N_NODES, D), f32),
    )(x, W1, parts)

    s1 = _sc_scatter(h1p, src, dst3d, zeros_feat)

    h2p = pl.pallas_call(
        _tc_mid, out_shape=jax.ShapeDtypeStruct((N_NODES, D), f32),
    )(s1, h1p, parts, b1.reshape(1, D), W2)

    s2 = _sc_scatter(h2p, src, dst3d, zeros_feat)

    out = pl.pallas_call(
        _tc_head, out_shape=jax.ShapeDtypeStruct((G, 1), f32),
    )(s2, h2p, parts, b2.reshape(1, D), batch2d, Wl, bl.reshape(1, 1))
    return out.reshape(-1)

# --- scband reference (transcript-rebuilt; emitter-appended) ---
"""Pipeline reference for scband-gcn-pred-15513421873661 (READ-ONLY COPY).

The authoritative reference and input builder live on the scoring server;
editing this copy changes nothing except your own understanding.
"""

import jax, jax.numpy as jnp
import numpy as np

N_NODES = 10000
N_EDGES = 320000
D_IN = 128
D_HID = 128
D_OUT = 128
N_GRAPHS = 64


def gcn_conv(x, edge_index, W, b, num_nodes):
    # PyG GCNConv: h = x @ W; add self loops; symmetric normalization; scatter-add; + bias
    h = x @ W
    src = edge_index[0]
    dst = edge_index[1]
    loop = jnp.arange(num_nodes, dtype=src.dtype)
    src = jnp.concatenate([src, loop])
    dst = jnp.concatenate([dst, loop])
    deg = jnp.zeros((num_nodes,), dtype=h.dtype).at[dst].add(1.0)
    d_inv_sqrt = jnp.where(deg > 0, deg ** -0.5, 0.0)
    norm = d_inv_sqrt[src] * d_inv_sqrt[dst]
    msgs = h[src] * norm[:, None]
    out = jax.ops.segment_sum(msgs, dst, num_segments=num_nodes)
    return out + b


def global_mean_pool(x, batch, num_graphs):
    sums = jax.ops.segment_sum(x, batch, num_segments=num_graphs)
    counts = jax.ops.segment_sum(jnp.ones((x.shape[0],), dtype=x.dtype), batch, num_segments=num_graphs)
    return sums / jnp.clip(counts, 1.0, None)[:, None]


def setup_inputs(seed: int = 0) -> dict:
    key = jax.random.key(seed)
    k = jax.random.split(key, 10)
    x = jax.random.normal(k[0], (N_NODES, D_IN), dtype=jnp.float32)
    edge_index = jax.random.randint(k[1], (2, N_EDGES), 0, N_NODES, dtype=jnp.int64)
    batch = jnp.sort(jax.random.randint(k[2], (N_NODES,), 0, N_GRAPHS, dtype=jnp.int64))
    # Glorot-like init for GCNConv linear weights (bias separate, zero-init in PyG, use small randn)
    W1 = jax.random.normal(k[3], (D_IN, D_HID), dtype=jnp.float32) * (1.0 / np.sqrt(D_IN))
    b1 = jnp.zeros((D_HID,), dtype=jnp.float32)
    W2 = jax.random.normal(k[4], (D_HID, D_OUT), dtype=jnp.float32) * (1.0 / np.sqrt(D_HID))
    b2 = jnp.zeros((D_OUT,), dtype=jnp.float32)
    Wl = jax.random.normal(k[5], (D_OUT, 1), dtype=jnp.float32) * (1.0 / np.sqrt(D_OUT))
    bl = jnp.zeros((1,), dtype=jnp.float32)
    return {"x": x, "edge_index": edge_index, "batch": batch,
            "W1": W1, "b1": b1, "W2": W2, "b2": b2, "Wl": Wl, "bl": bl}


def reference(x, edge_index, batch, W1, b1, W2, b2, Wl, bl):
    h = gcn_conv(x, edge_index, W1, b1, N_NODES)
    h = jax.nn.relu(h)
    h = gcn_conv(h, edge_index, W2, b2, N_NODES)
    h = jax.nn.relu(h)
    g = global_mean_pool(h, batch, N_GRAPHS)
    # dropout is identity in eval mode
    out = jax.nn.sigmoid(g @ Wl + bl)
    return out.reshape(-1)

if __name__ == "__main__":
    import jax
    _d = setup_inputs()
    print(jax.jit(kernel)(*tuple(_d.values())))

</pallas_src>

<mosaic_0001>
#map = affine_map<(d0, d1) -> (0)>
module attributes {stable_mosaic.version = 14 : i64} {
  func.func @_sc_degree(%arg0: i32, %arg1: i32, %arg2: memref<320000xi32, #tpu.memory_space<hbm>>, %arg3: memref<10240xf32, #tpu.memory_space<hbm>>, %arg4: memref<327680xf32, #tpu.memory_space<hbm>>, %arg5: memref<10000xi32, #tpu.memory_space<vmem>>, %arg6: memref<10240xf32, #tpu.memory_space<vmem>>) attributes {dimension_semantics = [#tpu.dimension_semantics<core_parallel>, #tpu.dimension_semantics<subcore_parallel>], iteration_bounds = array<i64: 2, 16>, scalar_prefetch = 0 : i64, scratch_operands = 2 : i64, tpu.core_type = #tpu.core_type<sc_vector_subcore>, window_params = [{transform_indices = #map}, {transform_indices = #map}, {transform_indices = #map}]} {
    %mul3A = arith.constant 2 : i32
    %mul3A_0 = arith.muli %arg1, %mul3A : i32
    %add3A = arith.addi %mul3A_0, %arg0 : i32
    %mul3A_1 = arith.constant 10000 : i32
    %mul3A_2 = arith.muli %add3A, %mul3A_1 : i32
    %multiple_of3A = tpu.assume_multiple %mul3A_2, 8 : i32
    "tpu.region"() ({
      %run_scoped3A = tpu.sem_alloc : memref<!tpu.dma_semaphore, #tpu.memory_space<semaphore_mem>>
      %dma_start3A = tpu.memref_slice %arg2[%multiple_of3A] : memref<320000xi32, #tpu.memory_space<hbm>> -> memref<10000xi32, #tpu.memory_space<hbm>>
      %dma_start3A_12 = tpu.memref_slice %arg2[%multiple_of3A] : memref<320000xi32, #tpu.memory_space<hbm>> -> memref<10000xi32, #tpu.memory_space<hbm>>
      tpu.enqueue_dma source(%dma_start3A_12 : memref<10000xi32, #tpu.memory_space<hbm>>) target(%arg5 : memref<10000xi32, #tpu.memory_space<vmem>>) target_semaphore(%run_scoped3A : memref<!tpu.dma_semaphore, #tpu.memory_space<semaphore_mem>>)
      %dma_wait3A = tpu.memref_slice %arg2[%multiple_of3A] : memref<320000xi32, #tpu.memory_space<hbm>> -> memref<10000xi32, #tpu.memory_space<hbm>>
      %dma_wait3A_13 = tpu.memref_slice %arg2[%multiple_of3A] : memref<320000xi32, #tpu.memory_space<hbm>> -> memref<10000xi32, #tpu.memory_space<hbm>>
      tpu.wait_dma2 semaphore(%run_scoped3A : memref<!tpu.dma_semaphore, #tpu.memory_space<semaphore_mem>>) src(%dma_wait3A_13 : memref<10000xi32, #tpu.memory_space<hbm>>) dst(%arg5 : memref<10000xi32, #tpu.memory_space<vmem>>)
      tpu.yield
    }) : () -> ()
    "tpu.region"() ({
      %run_scoped3A = tpu.sem_alloc : memref<!tpu.dma_semaphore, #tpu.memory_space<semaphore_mem>>
      tpu.enqueue_dma source(%arg3 : memref<10240xf32, #tpu.memory_space<hbm>>) target(%arg6 : memref<10240xf32, #tpu.memory_space<vmem>>) target_semaphore(%run_scoped3A : memref<!tpu.dma_semaphore, #tpu.memory_space<semaphore_mem>>)
      tpu.wait_dma2 semaphore(%run_scoped3A : memref<!tpu.dma_semaphore, #tpu.memory_space<semaphore_mem>>) src(%arg3 : memref<10240xf32, #tpu.memory_space<hbm>>) dst(%arg6 : memref<10240xf32, #tpu.memory_space<vmem>>)
      tpu.yield
    }) : () -> ()
    %broadcast_in_dim3A = arith.constant 1.000000e+00 : f32
    %broadcast_in_dim3A_3 = vector.broadcast %broadcast_in_dim3A : f32 to vector<16xf32>
    %scan3A = arith.constant 0 : i32
    %scan3A_4 = arith.constant 0 : i32
    %scan3A_5 = arith.constant 625 : i32
    %scan3A_6 = arith.addi %scan3A_4, %scan3A_5 : i32
    %scan3A_7 = arith.constant 1 : i32
    scf.for %scan3A_12 = %scan3A_4 to %scan3A_6 step %scan3A_7  : i32 {
      %mul3A_13 = arith.constant 16 : i32
      %mul3A_14 = arith.muli %scan3A_12, %mul3A_13 : i32
      %get3A = arith.index_cast %mul3A_14 : i32 to index
      %get3A_15 = tpu.vector_load %arg5[%get3A] {strides = array<i32>} : memref<10000xi32, #tpu.memory_space<vmem>>, vector<16xi32>,
      tpu.vector_store_idx %arg6[%get3A_15], %broadcast_in_dim3A_3 {add = true} : memref<10240xf32, #tpu.memory_space<vmem>>[vector<16xi32>], vector<16xf32>,
    }
    %scan3A_8 = arith.constant 625 : i32
    %mul3A_9 = arith.constant 10240 : i32
    %mul3A_10 = arith.muli %add3A, %mul3A_9 : i32
    %multiple_of3A_11 = tpu.assume_multiple %mul3A_10, 8 : i32
    "tpu.region"() ({
      %run_scoped3A = tpu.sem_alloc : memref<!tpu.dma_semaphore, #tpu.memory_space<semaphore_mem>>
      %dma_start3A = tpu.memref_slice %arg4[%multiple_of3A_11] : memref<327680xf32, #tpu.memory_space<hbm>> -> memref<10240xf32, #tpu.memory_space<hbm>>
      %dma_start3A_12 = tpu.memref_slice %arg4[%multiple_of3A_11] : memref<327680xf32, #tpu.memory_space<hbm>> -> memref<10240xf32, #tpu.memory_space<hbm>>
      tpu.enqueue_dma source(%arg6 : memref<10240xf32, #tpu.memory_space<vmem>>) target(%dma_start3A_12 : memref<10240xf32, #tpu.memory_space<hbm>>) target_semaphore(%run_scoped3A : memref<!tpu.dma_semaphore, #tpu.memory_space<semaphore_mem>>)
      %dma_wait3A = tpu.memref_slice %arg4[%multiple_of3A_11] : memref<327680xf32, #tpu.memory_space<hbm>> -> memref<10240xf32, #tpu.memory_space<hbm>>
      %dma_wait3A_13 = tpu.memref_slice %arg4[%multiple_of3A_11] : memref<327680xf32, #tpu.memory_space<hbm>> -> memref<10240xf32, #tpu.memory_space<hbm>>
      tpu.wait_dma2 semaphore(%run_scoped3A : memref<!tpu.dma_semaphore, #tpu.memory_space<semaphore_mem>>) src(%arg6 : memref<10240xf32, #tpu.memory_space<vmem>>) dst(%dma_wait3A_13 : memref<10240xf32, #tpu.memory_space<hbm>>)
      tpu.yield
    }) : () -> ()
    return
  }
}

#map = affine_map<(d0, d1) -> (0, 0)>
#map1 = affine_map<(d0, d1) -> (0)>
#map2 = affine_map<(d0, d1) -> (0, 0, 0)>
module attributes {stable_mosaic.version = 14 : i64} {
  func.func @_sc_scatter(%arg0: i32, %arg1: i32, %arg2: memref<10000x128xf32, #tpu.memory_space<hbm>>, %arg3: memref<320000xi32, #tpu.memory_space<hbm>>, %arg4: memref<32x125x80xi32, #tpu.memory_space<hbm>>, %arg5: memref<640x128xf32, #tpu.memory_space<hbm>>, %arg6: memref<20480x128xf32, #tpu.memory_space<hbm>>, %arg7: memref<10000xi32, #tpu.memory_space<vmem>>, %arg8: memref<125x80xi32, #tpu.memory_space<vmem>>, %arg9: memref<80x128xf32, #tpu.memory_space<vmem>>, %arg10: memref<80x128xf32, #tpu.memory_space<vmem>>, %arg11: memref<10240x128xf32, #tpu.memory_space<vmem_shared>>, %arg12: memref<!tpu.dma_semaphore, #tpu.memory_space<semaphore_mem>>, %arg13: memref<!tpu.dma_semaphore, #tpu.memory_space<semaphore_mem>>) attributes {dimension_semantics = [#tpu.dimension_semantics<core_parallel>, #tpu.dimension_semantics<subcore_parallel>], iteration_bounds = array<i64: 2, 16>, scalar_prefetch = 0 : i64, scratch_operands = 7 : i64, tpu.core_type = #tpu.core_type<sc_vector_subcore>, window_params = [{transform_indices = #map}, {transform_indices = #map1}, {transform_indices = #map2}, {transform_indices = #map}, {transform_indices = #map}]} {
    %mul3A = arith.constant 2 : i32
    %mul3A_0 = arith.muli %arg1, %mul3A : i32
    %add3A = arith.addi %mul3A_0, %arg0 : i32
    %mul3A_1 = arith.constant 640 : i32
    %mul3A_2 = arith.muli %arg1, %mul3A_1 : i32
    %multiple_of3A = tpu.assume_multiple %mul3A_2, 8 : i32
    %mul3A_3 = arith.constant 10000 : i32
    %mul3A_4 = arith.muli %add3A, %mul3A_3 : i32
    %multiple_of3A_5 = tpu.assume_multiple %mul3A_4, 8 : i32
    "tpu.region"() ({
      %run_scoped3A_28 = tpu.sem_alloc : memref<!tpu.dma_semaphore, #tpu.memory_space<semaphore_mem>>
      %dma_start3A_29 = tpu.memref_slice %arg3[%multiple_of3A_5] : memref<320000xi32, #tpu.memory_space<hbm>> -> memref<10000xi32, #tpu.memory_space<hbm>>
      %dma_start3A_30 = tpu.memref_slice %arg3[%multiple_of3A_5] : memref<320000xi32, #tpu.memory_space<hbm>> -> memref<10000xi32, #tpu.memory_space<hbm>>
      tpu.enqueue_dma source(%dma_start3A_30 : memref<10000xi32, #tpu.memory_space<hbm>>) target(%arg7 : memref<10000xi32, #tpu.memory_space<vmem>>) target_semaphore(%run_scoped3A_28 : memref<!tpu.dma_semaphore, #tpu.memory_space<semaphore_mem>>)
      %dma_wait3A_31 = tpu.memref_slice %arg3[%multiple_of3A_5] : memref<320000xi32, #tpu.memory_space<hbm>> -> memref<10000xi32, #tpu.memory_space<hbm>>
      %dma_wait3A_32 = tpu.memref_slice %arg3[%multiple_of3A_5] : memref<320000xi32, #tpu.memory_space<hbm>> -> memref<10000xi32, #tpu.memory_space<hbm>>
      tpu.wait_dma2 semaphore(%run_scoped3A_28 : memref<!tpu.dma_semaphore, #tpu.memory_space<semaphore_mem>>) src(%dma_wait3A_32 : memref<10000xi32, #tpu.memory_space<hbm>>) dst(%arg7 : memref<10000xi32, #tpu.memory_space<vmem>>)
      tpu.yield
    }) : () -> ()
    "tpu.region"() ({
      %run_scoped3A_28 = tpu.sem_alloc : memref<!tpu.dma_semaphore, #tpu.memory_space<semaphore_mem>>
      %dma_start3A_29 = arith.constant 0 : i32
      %dma_start3A_30 = arith.constant 0 : i32
      %dma_start3A_31 = tpu.memref_slice %arg4[%add3A, %dma_start3A_29, %dma_start3A_30] : memref<32x125x80xi32, #tpu.memory_space<hbm>> -> memref<1x125x80xi32, #tpu.memory_space<hbm>>
      %dma_start3A_32 = tpu.memref_squeeze %dma_start3A_31 : memref<1x125x80xi32, #tpu.memory_space<hbm>> -> memref<125x80xi32, #tpu.memory_space<hbm>>
      %dma_start3A_33 = arith.constant 0 : i32
      %dma_start3A_34 = arith.constant 0 : i32
      %dma_start3A_35 = tpu.memref_slice %arg4[%add3A, %dma_start3A_33, %dma_start3A_34] : memref<32x125x80xi32, #tpu.memory_space<hbm>> -> memref<1x125x80xi32, #tpu.memory_space<hbm>>
      %dma_start3A_36 = tpu.memref_squeeze %dma_start3A_35 : memref<1x125x80xi32, #tpu.memory_space<hbm>> -> memref<125x80xi32, #tpu.memory_space<hbm>>
      tpu.enqueue_dma source(%dma_start3A_36 : memref<125x80xi32, #tpu.memory_space<hbm>>) target(%arg8 : memref<125x80xi32, #tpu.memory_space<vmem>>) target_semaphore(%run_scoped3A_28 : memref<!tpu.dma_semaphore, #tpu.memory_space<semaphore_mem>>)
      %dma_wait3A_37 = arith.constant 0 : i32
      %dma_wait3A_38 = arith.constant 0 : i32
      %dma_wait3A_39 = tpu.memref_slice %arg4[%add3A, %dma_wait3A_37, %dma_wait3A_38] : memref<32x125x80xi32, #tpu.memory_space<hbm>> -> memref<1x125x80xi32, #tpu.memory_space<hbm>>
      %dma_wait3A_40 = tpu.memref_squeeze %dma_wait3A_39 : memref<1x125x80xi32, #tpu.memory_space<hbm>> -> memref<125x80xi32, #tpu.memory_space<hbm>>
      %dma_wait3A_41 = arith.constant 0 : i32
      %dma_wait3A_42 = arith.constant 0 : i32
      %dma_wait3A_43 = tpu.memref_slice %arg4[%add3A, %dma_wait3A_41, %dma_wait3A_42] : memref<32x125x80xi32, #tpu.memory_space<hbm>> -> memref<1x125x80xi32, #tpu.memory_space<hbm>>
      %dma_wait3A_44 = tpu.memref_squeeze %dma_wait3A_43 : memref<1x125x80xi32, #tpu.memory_space<hbm>> -> memref<125x80xi32, #tpu.memory_space<hbm>>
      tpu.wait_dma2 semaphore(%run_scoped3A_28 : memref<!tpu.dma_semaphore, #tpu.memory_space<semaphore_mem>>) src(%dma_wait3A_44 : memref<125x80xi32, #tpu.memory_space<hbm>>) dst(%arg8 : memref<125x80xi32, #tpu.memory_space<vmem>>)
      tpu.yield
    }) : () -> ()
    "tpu.region"() ({
      %run_scoped3A_28 = tpu.sem_alloc : memref<!tpu.dma_semaphore, #tpu.memory_space<semaphore_mem>>
      %dma_start3A_29 = arith.constant 0 : i32
      %dma_start3A_30 = tpu.memref_slice %arg11[%multiple_of3A, %dma_start3A_29] : memref<10240x128xf32, #tpu.memory_space<vmem_shared>> -> memref<640x128xf32, #tpu.memory_space<vmem_shared>>
      tpu.enqueue_dma source(%arg5 : memref<640x128xf32, #tpu.memory_space<hbm>>) target(%dma_start3A_30 : memref<640x128xf32, #tpu.memory_space<vmem_shared>>) target_semaphore(%run_scoped3A_28 : memref<!tpu.dma_semaphore, #tpu.memory_space<semaphore_mem>>)
      %dma_wait3A_31 = arith.constant 0 : i32
      %dma_wait3A_32 = tpu.memref_slice %arg11[%multiple_of3A, %dma_wait3A_31] : memref<10240x128xf32, #tpu.memory_space<vmem_shared>> -> memref<640x128xf32, #tpu.memory_space<vmem_shared>>
      tpu.wait_dma2 semaphore(%run_scoped3A_28 : memref<!tpu.dma_semaphore, #tpu.memory_space<semaphore_mem>>) src(%arg5 : memref<640x128xf32, #tpu.memory_space<hbm>>) dst(%dma_wait3A_32 : memref<640x128xf32, #tpu.memory_space<vmem_shared>>)
      tpu.yield
    }) : () -> ()
    %barrier3A = arith.constant 0 : index
    tpu.barrier barrier_id(%barrier3A)
    %multiple_of3A_6 = arith.constant 0 : i32
    %multiple_of3A_7 = tpu.assume_multiple %multiple_of3A_6, 8 : i32
    %dma_start3A = tpu.memref_slice %arg7[%multiple_of3A_7] : memref<10000xi32, #tpu.memory_space<vmem>> -> memref<80xi32, #tpu.memory_space<vmem>>
    %dma_start3A_8 = arith.constant 0 : i32
    %dma_start3A_9 = arith.constant 0 : i32
    %dma_start3A_10 = tpu.memref_slice %arg2[%dma_start3A_8, %dma_start3A_9] : memref<10000x128xf32, #tpu.memory_space<hbm>> -> memref<10000x128xf32, #tpu.memory_space<hbm>>
    tpu.enqueue_indirect_dma source(%dma_start3A_10 : memref<10000x128xf32, #tpu.memory_space<hbm>>) target(%arg9 : memref<80x128xf32, #tpu.memory_space<vmem>>) offsets(%dma_start3A : memref<80xi32, #tpu.memory_space<vmem>>) semaphore(%arg12 : memref<!tpu.dma_semaphore, #tpu.memory_space<semaphore_mem>>)
    %scan3A = arith.constant 0 : i32
    %scan3A_11 = arith.constant 0 : i32
    %scan3A_12 = arith.constant 62 : i32
    %scan3A_13 = arith.addi %scan3A_11, %scan3A_12 : i32
    %scan3A_14 = arith.constant 1 : i32
    scf.for %scan3A_28 = %scan3A_11 to %scan3A_13 step %scan3A_14  : i32 {
      %mul3A_29 = arith.constant 2 : i32
      %mul3A_30 = arith.muli %mul3A_29, %scan3A_28 : i32
      %add3A_31 = arith.constant 1 : i32
      %add3A_32 = arith.addi %mul3A_30, %add3A_31 : i32
      %add3A_33 = arith.constant 2 : i32
      %add3A_34 = arith.addi %mul3A_30, %add3A_33 : i32
      %mul3A_35 = arith.constant 80 : i32
      %mul3A_36 = arith.muli %add3A_32, %mul3A_35 : i32
      %multiple_of3A_37 = tpu.assume_multiple %mul3A_36, 8 : i32
      %dma_start3A_38 = tpu.memref_slice %arg7[%multiple_of3A_37] : memref<10000xi32, #tpu.memory_space<vmem>> -> memref<80xi32, #tpu.memory_space<vmem>>
      %dma_start3A_39 = arith.constant 0 : i32
      %dma_start3A_40 = arith.constant 0 : i32
      %dma_start3A_41 = tpu.memref_slice %arg2[%dma_start3A_39, %dma_start3A_40] : memref<10000x128xf32, #tpu.memory_space<hbm>> -> memref<10000x128xf32, #tpu.memory_space<hbm>>
      tpu.enqueue_indirect_dma source(%dma_start3A_41 : memref<10000x128xf32, #tpu.memory_space<hbm>>) target(%arg10 : memref<80x128xf32, #tpu.memory_space<vmem>>) offsets(%dma_start3A_38 : memref<80xi32, #tpu.memory_space<vmem>>) semaphore(%arg13 : memref<!tpu.dma_semaphore, #tpu.memory_space<semaphore_mem>>)
      %mul3A_42 = arith.constant 80 : i32
      %mul3A_43 = arith.muli %mul3A_30, %mul3A_42 : i32
      %multiple_of3A_44 = tpu.assume_multiple %mul3A_43, 8 : i32
      %dma_wait3A_45 = tpu.memref_slice %arg7[%multiple_of3A_44] : memref<10000xi32, #tpu.memory_space<vmem>> -> memref<80xi32, #tpu.memory_space<vmem>>
      %dma_wait3A_46 = arith.constant 0 : i32
      %dma_wait3A_47 = arith.constant 0 : i32
      %dma_wait3A_48 = tpu.memref_slice %arg2[%dma_wait3A_46, %dma_wait3A_47] : memref<10000x128xf32, #tpu.memory_space<hbm>> -> memref<10000x128xf32, #tpu.memory_space<hbm>>
      tpu.wait_indirect_dma semaphore(%arg12 : memref<!tpu.dma_semaphore, #tpu.memory_space<semaphore_mem>>) src(%dma_wait3A_48 : memref<10000x128xf32, #tpu.memory_space<hbm>>) dst(%arg9 : memref<80x128xf32, #tpu.memory_space<vmem>>)
      "tpu.region"() ({
        %run_scoped3A_63 = tpu.sem_alloc : memref<!tpu.dma_semaphore, #tpu.memory_space<semaphore_mem>>
        %dma_start3A_64 = arith.constant 0 : i32
        %dma_start3A_65 = tpu.memref_slice %arg8[%mul3A_30, %dma_start3A_64] : memref<125x80xi32, #tpu.memory_space<vmem>> -> memref<1x80xi32, #tpu.memory_space<vmem>>
        %dma_start3A_66 = tpu.memref_squeeze %dma_start3A_65 : memref<1x80xi32, #tpu.memory_space<vmem>> -> memref<80xi32, #tpu.memory_space<vmem>>
        %dma_start3A_67 = arith.constant 0 : i32
        %dma_start3A_68 = arith.constant 0 : i32
        %dma_start3A_69 = tpu.memref_slice %arg11[%dma_start3A_67, %dma_start3A_68] : memref<10240x128xf32, #tpu.memory_space<vmem_shared>> -> memref<10240x128xf32, #tpu.memory_space<vmem_shared>>
        tpu.enqueue_indirect_dma source(%arg9 : memref<80x128xf32, #tpu.memory_space<vmem>>) target(%dma_start3A_69 : memref<10240x128xf32, #tpu.memory_space<vmem_shared>>) offsets(%dma_start3A_66 : memref<80xi32, #tpu.memory_space<vmem>>) semaphore(%run_scoped3A_63 : memref<!tpu.dma_semaphore, #tpu.memory_space<semaphore_mem>>) {add = true}
        %dma_wait3A_70 = arith.constant 0 : i32
        %dma_wait3A_71 = tpu.memref_slice %arg8[%mul3A_30, %dma_wait3A_70] : memref<125x80xi32, #tpu.memory_space<vmem>> -> memref<1x80xi32, #tpu.memory_space<vmem>>
        %dma_wait3A_72 = tpu.memref_squeeze %dma_wait3A_71 : memref<1x80xi32, #tpu.memory_space<vmem>> -> memref<80xi32, #tpu.memory_space<vmem>>
        %dma_wait3A_73 = arith.constant 0 : i32
        %dma_wait3A_74 = arith.constant 0 : i32
        %dma_wait3A_75 = tpu.memref_slice %arg11[%dma_wait3A_73, %dma_wait3A_74] : memref<10240x128xf32, #tpu.memory_space<vmem_shared>> -> memref<10240x128xf32, #tpu.memory_space<vmem_shared>>
        tpu.wait_indirect_dma semaphore(%run_scoped3A_63 : memref<!tpu.dma_semaphore, #tpu.memory_space<semaphore_mem>>) src(%arg9 : memref<80x128xf32, #tpu.memory_space<vmem>>) dst(%dma_wait3A_75 : memref<10240x128xf32, #tpu.memory_space<vmem_shared>>)
        tpu.yield
      }) : () -> ()
      %mul3A_49 = arith.constant 80 : i32
      %mul3A_50 = arith.muli %add3A_34, %mul3A_49 : i32
      %multiple_of3A_51 = tpu.assume_multiple %mul3A_50, 8 : i32
      %dma_start3A_52 = tpu.memref_slice %arg7[%multiple_of3A_51] : memref<10000xi32, #tpu.memory_space<vmem>> -> memref<80xi32, #tpu.memory_space<vmem>>
      %dma_start3A_53 = arith.constant 0 : i32
      %dma_start3A_54 = arith.constant 0 : i32
      %dma_start3A_55 = tpu.memref_slice %arg2[%dma_start3A_53, %dma_start3A_54] : memref<10000x128xf32, #tpu.memory_space<hbm>> -> memref<10000x128xf32, #tpu.memory_space<hbm>>
      tpu.enqueue_indirect_dma source(%dma_start3A_55 : memref<10000x128xf32, #tpu.memory_space<hbm>>) target(%arg9 : memref<80x128xf32, #tpu.memory_space<vmem>>) offsets(%dma_start3A_52 : memref<80xi32, #tpu.memory_space<vmem>>) semaphore(%arg12 : memref<!tpu.dma_semaphore, #tpu.memory_space<semaphore_mem>>)
      %mul3A_56 = arith.constant 80 : i32
      %mul3A_57 = arith.muli %add3A_32, %mul3A_56 : i32
      %multiple_of3A_58 = tpu.assume_multiple %mul3A_57, 8 : i32
      %dma_wait3A_59 = tpu.memref_slice %arg7[%multiple_of3A_58] : memref<10000xi32, #tpu.memory_space<vmem>> -> memref<80xi32, #tpu.memory_space<vmem>>
      %dma_wait3A_60 = arith.constant 0 : i32
      %dma_wait3A_61 = arith.constant 0 : i32
      %dma_wait3A_62 = tpu.memref_slice %arg2[%dma_wait3A_60, %dma_wait3A_61] : memref<10000x128xf32, #tpu.memory_space<hbm>> -> memref<10000x128xf32, #tpu.memory_space<hbm>>
      tpu.wait_indirect_dma semaphore(%arg13 : memref<!tpu.dma_semaphore, #tpu.memory_space<semaphore_mem>>) src(%dma_wait3A_62 : memref<10000x128xf32, #tpu.memory_space<hbm>>) dst(%arg10 : memref<80x128xf32, #tpu.memory_space<vmem>>)
      "tpu.region"() ({
        %run_scoped3A_63 = tpu.sem_alloc : memref<!tpu.dma_semaphore, #tpu.memory_space<semaphore_mem>>
        %dma_start3A_64 = arith.constant 0 : i32
        %dma_start3A_65 = tpu.memref_slice %arg8[%add3A_32, %dma_start3A_64] : memref<125x80xi32, #tpu.memory_space<vmem>> -> memref<1x80xi32, #tpu.memory_space<vmem>>
        %dma_start3A_66 = tpu.memref_squeeze %dma_start3A_65 : memref<1x80xi32, #tpu.memory_space<vmem>> -> memref<80xi32, #tpu.memory_space<vmem>>
        %dma_start3A_67 = arith.constant 0 : i32
        %dma_start3A_68 = arith.constant 0 : i32
        %dma_start3A_69 = tpu.memref_slice %arg11[%dma_start3A_67, %dma_start3A_68] : memref<10240x128xf32, #tpu.memory_space<vmem_shared>> -> memref<10240x128xf32, #tpu.memory_space<vmem_shared>>
        tpu.enqueue_indirect_dma source(%arg10 : memref<80x128xf32, #tpu.memory_space<vmem>>) target(%dma_start3A_69 : memref<10240x128xf32, #tpu.memory_space<vmem_shared>>) offsets(%dma_start3A_66 : memref<80xi32, #tpu.memory_space<vmem>>) semaphore(%run_scoped3A_63 : memref<!tpu.dma_semaphore, #tpu.memory_space<semaphore_mem>>) {add = true}
        %dma_wait3A_70 = arith.constant 0 : i32
        %dma_wait3A_71 = tpu.memref_slice %arg8[%add3A_32, %dma_wait3A_70] : memref<125x80xi32, #tpu.memory_space<vmem>> -> memref<1x80xi32, #tpu.memory_space<vmem>>
        %dma_wait3A_72 = tpu.memref_squeeze %dma_wait3A_71 : memref<1x80xi32, #tpu.memory_space<vmem>> -> memref<80xi32, #tpu.memory_space<vmem>>
        %dma_wait3A_73 = arith.constant 0 : i32
        %dma_wait3A_74 = arith.constant 0 : i32
        %dma_wait3A_75 = tpu.memref_slice %arg11[%dma_wait3A_73, %dma_wait3A_74] : memref<10240x128xf32, #tpu.memory_space<vmem_shared>> -> memref<10240x128xf32, #tpu.memory_space<vmem_shared>>
        tpu.wait_indirect_dma semaphore(%run_scoped3A_63 : memref<!tpu.dma_semaphore, #tpu.memory_space<semaphore_mem>>) src(%arg10 : memref<80x128xf32, #tpu.memory_space<vmem>>) dst(%dma_wait3A_75 : memref<10240x128xf32, #tpu.memory_space<vmem_shared>>)
        tpu.yield
      }) : () -> ()
    }
    %scan3A_15 = arith.constant 62 : i32
    %multiple_of3A_16 = arith.constant 9920 : i32
    %multiple_of3A_17 = tpu.assume_multiple %multiple_of3A_16, 8 : i32
    %dma_wait3A = tpu.memref_slice %arg7[%multiple_of3A_17] : memref<10000xi32, #tpu.memory_space<vmem>> -> memref<80xi32, #tpu.memory_space<vmem>>
    %dma_wait3A_18 = arith.constant 0 : i32
    %dma_wait3A_19 = arith.constant 0 : i32
    %dma_wait3A_20 = tpu.memref_slice %arg2[%dma_wait3A_18, %dma_wait3A_19] : memref<10000x128xf32, #tpu.memory_space<hbm>> -> memref<10000x128xf32, #tpu.memory_space<hbm>>
    tpu.wait_indirect_dma semaphore(%arg12 : memref<!tpu.dma_semaphore, #tpu.memory_space<semaphore_mem>>) src(%dma_wait3A_20 : memref<10000x128xf32, #tpu.memory_space<hbm>>) dst(%arg9 : memref<80x128xf32, #tpu.memory_space<vmem>>)
    %run_scoped3A = arith.constant 124 : i32
    "tpu.region"() ({
      %run_scoped3A_28 = tpu.sem_alloc : memref<!tpu.dma_semaphore, #tpu.memory_space<semaphore_mem>>
      %dma_start3A_29 = arith.constant 0 : i32
      %dma_start3A_30 = tpu.memref_slice %arg8[%run_scoped3A, %dma_start3A_29] : memref<125x80xi32, #tpu.memory_space<vmem>> -> memref<1x80xi32, #tpu.memory_space<vmem>>
      %dma_start3A_31 = tpu.memref_squeeze %dma_start3A_30 : memref<1x80xi32, #tpu.memory_space<vmem>> -> memref<80xi32, #tpu.memory_space<vmem>>
      %dma_start3A_32 = arith.constant 0 : i32
      %dma_start3A_33 = arith.constant 0 : i32
      %dma_start3A_34 = tpu.memref_slice %arg11[%dma_start3A_32, %dma_start3A_33] : memref<10240x128xf32, #tpu.memory_space<vmem_shared>> -> memref<10240x128xf32, #tpu.memory_space<vmem_shared>>
      tpu.enqueue_indirect_dma source(%arg9 : memref<80x128xf32, #tpu.memory_space<vmem>>) target(%dma_start3A_34 : memref<10240x128xf32, #tpu.memory_space<vmem_shared>>) offsets(%dma_start3A_31 : memref<80xi32, #tpu.memory_space<vmem>>) semaphore(%run_scoped3A_28 : memref<!tpu.dma_semaphore, #tpu.memory_space<semaphore_mem>>) {add = true}
      %dma_wait3A_35 = arith.constant 0 : i32
      %dma_wait3A_36 = tpu.memref_slice %arg8[%run_scoped3A, %dma_wait3A_35] : memref<125x80xi32, #tpu.memory_space<vmem>> -> memref<1x80xi32, #tpu.memory_space<vmem>>
      %dma_wait3A_37 = tpu.memref_squeeze %dma_wait3A_36 : memref<1x80xi32, #tpu.memory_space<vmem>> -> memref<80xi32, #tpu.memory_space<vmem>>
      %dma_wait3A_38 = arith.constant 0 : i32
      %dma_wait3A_39 = arith.constant 0 : i32
      %dma_wait3A_40 = tpu.memref_slice %arg11[%dma_wait3A_38, %dma_wait3A_39] : memref<10240x128xf32, #tpu.memory_space<vmem_shared>> -> memref<10240x128xf32, #tpu.memory_space<vmem_shared>>
      tpu.wait_indirect_dma semaphore(%run_scoped3A_28 : memref<!tpu.dma_semaphore, #tpu.memory_space<semaphore_mem>>) src(%arg9 : memref<80x128xf32, #tpu.memory_space<vmem>>) dst(%dma_wait3A_40 : memref<10240x128xf32, #tpu.memory_space<vmem_shared>>)
      tpu.yield
    }) : () -> ()
    %barrier3A_21 = arith.constant 0 : index
    tpu.barrier barrier_id(%barrier3A_21)
    %mul3A_22 = arith.constant 10240 : i32
    %mul3A_23 = arith.muli %arg0, %mul3A_22 : i32
    %mul3A_24 = arith.constant 640 : i32
    %mul3A_25 = arith.muli %arg1, %mul3A_24 : i32
    %add3A_26 = arith.addi %mul3A_23, %mul3A_25 : i32
    %multiple_of3A_27 = tpu.assume_multiple %add3A_26, 8 : i32
    "tpu.region"() ({
      %run_scoped3A_28 = tpu.sem_alloc : memref<!tpu.dma_semaphore, #tpu.memory_space<semaphore_mem>>
      %dma_start3A_29 = arith.constant 0 : i32
      %dma_start3A_30 = tpu.memref_slice %arg6[%multiple_of3A_27, %dma_start3A_29] : memref<20480x128xf32, #tpu.memory_space<hbm>> -> memref<640x128xf32, #tpu.memory_space<hbm>>
      %dma_start3A_31 = arith.constant 0 : i32
      %dma_start3A_32 = tpu.memref_slice %arg11[%multiple_of3A, %dma_start3A_31] : memref<10240x128xf32, #tpu.memory_space<vmem_shared>> -> memref<640x128xf32, #tpu.memory_space<vmem_shared>>
      tpu.enqueue_dma source(%dma_start3A_32 : memref<640x128xf32, #tpu.memory_space<vmem_shared>>) target(%dma_start3A_30 : memref<640x128xf32, #tpu.memory_space<hbm>>) target_semaphore(%run_scoped3A_28 : memref<!tpu.dma_semaphore, #tpu.memory_space<semaphore_mem>>)
      %dma_wait3A_33 = arith.constant 0 : i32
      %dma_wait3A_34 = tpu.memref_slice %arg6[%multiple_of3A_27, %dma_wait3A_33] : memref<20480x128xf32, #tpu.memory_space<hbm>> -> memref<640x128xf32, #tpu.memory_space<hbm>>
      %dma_wait3A_35 = arith.constant 0 : i32
      %dma_wait3A_36 = tpu.memref_slice %arg11[%multiple_of3A, %dma_wait3A_35] : memref<10240x128xf32, #tpu.memory_space<vmem_shared>> -> memref<640x128xf32, #tpu.memory_space<vmem_shared>>
      tpu.wait_dma2 semaphore(%run_scoped3A_28 : memref<!tpu.dma_semaphore, #tpu.memory_space<semaphore_mem>>) src(%dma_wait3A_36 : memref<640x128xf32, #tpu.memory_space<vmem_shared>>) dst(%dma_wait3A_34 : memref<640x128xf32, #tpu.memory_space<hbm>>)
      tpu.yield
    }) : () -> ()
    return
  }
}

#map = affine_map<(d0, d1) -> (0, 0)>
#map1 = affine_map<(d0, d1) -> (0)>
#map2 = affine_map<(d0, d1) -> (0, 0, 0)>
module attributes {stable_mosaic.version = 14 : i64} {
  func.func @_sc_scatter(%arg0: i32, %arg1: i32, %arg2: memref<10000x128xf32, #tpu.memory_space<hbm>>, %arg3: memref<320000xi32, #tpu.memory_space<hbm>>, %arg4: memref<32x125x80xi32, #tpu.memory_space<hbm>>, %arg5: memref<640x128xf32, #tpu.memory_space<hbm>>, %arg6: memref<20480x128xf32, #tpu.memory_space<hbm>>, %arg7: memref<10000xi32, #tpu.memory_space<vmem>>, %arg8: memref<125x80xi32, #tpu.memory_space<vmem>>, %arg9: memref<80x128xf32, #tpu.memory_space<vmem>>, %arg10: memref<80x128xf32, #tpu.memory_space<vmem>>, %arg11: memref<10240x128xf32, #tpu.memory_space<vmem_shared>>, %arg12: memref<!tpu.dma_semaphore, #tpu.memory_space<semaphore_mem>>, %arg13: memref<!tpu.dma_semaphore, #tpu.memory_space<semaphore_mem>>) attributes {dimension_semantics = [#tpu.dimension_semantics<core_parallel>, #tpu.dimension_semantics<subcore_parallel>], iteration_bounds = array<i64: 2, 16>, scalar_prefetch = 0 : i64, scratch_operands = 7 : i64, tpu.core_type = #tpu.core_type<sc_vector_subcore>, window_params = [{transform_indices = #map}, {transform_indices = #map1}, {transform_indices = #map2}, {transform_indices = #map}, {transform_indices = #map}]} {
    %mul3A = arith.constant 2 : i32
    %mul3A_0 = arith.muli %arg1, %mul3A : i32
    %add3A = arith.addi %mul3A_0, %arg0 : i32
    %mul3A_1 = arith.constant 640 : i32
    %mul3A_2 = arith.muli %arg1, %mul3A_1 : i32
    %multiple_of3A = tpu.assume_multiple %mul3A_2, 8 : i32
    %mul3A_3 = arith.constant 10000 : i32
    %mul3A_4 = arith.muli %add3A, %mul3A_3 : i32
    %multiple_of3A_5 = tpu.assume_multiple %mul3A_4, 8 : i32
    "tpu.region"() ({
      %run_scoped3A_28 = tpu.sem_alloc : memref<!tpu.dma_semaphore, #tpu.memory_space<semaphore_mem>>
      %dma_start3A_29 = tpu.memref_slice %arg3[%multiple_of3A_5] : memref<320000xi32, #tpu.memory_space<hbm>> -> memref<10000xi32, #tpu.memory_space<hbm>>
      %dma_start3A_30 = tpu.memref_slice %arg3[%multiple_of3A_5] : memref<320000xi32, #tpu.memory_space<hbm>> -> memref<10000xi32, #tpu.memory_space<hbm>>
      tpu.enqueue_dma source(%dma_start3A_30 : memref<10000xi32, #tpu.memory_space<hbm>>) target(%arg7 : memref<10000xi32, #tpu.memory_space<vmem>>) target_semaphore(%run_scoped3A_28 : memref<!tpu.dma_semaphore, #tpu.memory_space<semaphore_mem>>)
      %dma_wait3A_31 = tpu.memref_slice %arg3[%multiple_of3A_5] : memref<320000xi32, #tpu.memory_space<hbm>> -> memref<10000xi32, #tpu.memory_space<hbm>>
      %dma_wait3A_32 = tpu.memref_slice %arg3[%multiple_of3A_5] : memref<320000xi32, #tpu.memory_space<hbm>> -> memref<10000xi32, #tpu.memory_space<hbm>>
      tpu.wait_dma2 semaphore(%run_scoped3A_28 : memref<!tpu.dma_semaphore, #tpu.memory_space<semaphore_mem>>) src(%dma_wait3A_32 : memref<10000xi32, #tpu.memory_space<hbm>>) dst(%arg7 : memref<10000xi32, #tpu.memory_space<vmem>>)
      tpu.yield
    }) : () -> ()
    "tpu.region"() ({
      %run_scoped3A_28 = tpu.sem_alloc : memref<!tpu.dma_semaphore, #tpu.memory_space<semaphore_mem>>
      %dma_start3A_29 = arith.constant 0 : i32
      %dma_start3A_30 = arith.constant 0 : i32
      %dma_start3A_31 = tpu.memref_slice %arg4[%add3A, %dma_start3A_29, %dma_start3A_30] : memref<32x125x80xi32, #tpu.memory_space<hbm>> -> memref<1x125x80xi32, #tpu.memory_space<hbm>>
      %dma_start3A_32 = tpu.memref_squeeze %dma_start3A_31 : memref<1x125x80xi32, #tpu.memory_space<hbm>> -> memref<125x80xi32, #tpu.memory_space<hbm>>
      %dma_start3A_33 = arith.constant 0 : i32
      %dma_start3A_34 = arith.constant 0 : i32
      %dma_start3A_35 = tpu.memref_slice %arg4[%add3A, %dma_start3A_33, %dma_start3A_34] : memref<32x125x80xi32, #tpu.memory_space<hbm>> -> memref<1x125x80xi32, #tpu.memory_space<hbm>>
      %dma_start3A_36 = tpu.memref_squeeze %dma_start3A_35 : memref<1x125x80xi32, #tpu.memory_space<hbm>> -> memref<125x80xi32, #tpu.memory_space<hbm>>
      tpu.enqueue_dma source(%dma_start3A_36 : memref<125x80xi32, #tpu.memory_space<hbm>>) target(%arg8 : memref<125x80xi32, #tpu.memory_space<vmem>>) target_semaphore(%run_scoped3A_28 : memref<!tpu.dma_semaphore, #tpu.memory_space<semaphore_mem>>)
      %dma_wait3A_37 = arith.constant 0 : i32
      %dma_wait3A_38 = arith.constant 0 : i32
      %dma_wait3A_39 = tpu.memref_slice %arg4[%add3A, %dma_wait3A_37, %dma_wait3A_38] : memref<32x125x80xi32, #tpu.memory_space<hbm>> -> memref<1x125x80xi32, #tpu.memory_space<hbm>>
      %dma_wait3A_40 = tpu.memref_squeeze %dma_wait3A_39 : memref<1x125x80xi32, #tpu.memory_space<hbm>> -> memref<125x80xi32, #tpu.memory_space<hbm>>
      %dma_wait3A_41 = arith.constant 0 : i32
      %dma_wait3A_42 = arith.constant 0 : i32
      %dma_wait3A_43 = tpu.memref_slice %arg4[%add3A, %dma_wait3A_41, %dma_wait3A_42] : memref<32x125x80xi32, #tpu.memory_space<hbm>> -> memref<1x125x80xi32, #tpu.memory_space<hbm>>
      %dma_wait3A_44 = tpu.memref_squeeze %dma_wait3A_43 : memref<1x125x80xi32, #tpu.memory_space<hbm>> -> memref<125x80xi32, #tpu.memory_space<hbm>>
      tpu.wait_dma2 semaphore(%run_scoped3A_28 : memref<!tpu.dma_semaphore, #tpu.memory_space<semaphore_mem>>) src(%dma_wait3A_44 : memref<125x80xi32, #tpu.memory_space<hbm>>) dst(%arg8 : memref<125x80xi32, #tpu.memory_space<vmem>>)
      tpu.yield
    }) : () -> ()
    "tpu.region"() ({
      %run_scoped3A_28 = tpu.sem_alloc : memref<!tpu.dma_semaphore, #tpu.memory_space<semaphore_mem>>
      %dma_start3A_29 = arith.constant 0 : i32
      %dma_start3A_30 = tpu.memref_slice %arg11[%multiple_of3A, %dma_start3A_29] : memref<10240x128xf32, #tpu.memory_space<vmem_shared>> -> memref<640x128xf32, #tpu.memory_space<vmem_shared>>
      tpu.enqueue_dma source(%arg5 : memref<640x128xf32, #tpu.memory_space<hbm>>) target(%dma_start3A_30 : memref<640x128xf32, #tpu.memory_space<vmem_shared>>) target_semaphore(%run_scoped3A_28 : memref<!tpu.dma_semaphore, #tpu.memory_space<semaphore_mem>>)
      %dma_wait3A_31 = arith.constant 0 : i32
      %dma_wait3A_32 = tpu.memref_slice %arg11[%multiple_of3A, %dma_wait3A_31] : memref<10240x128xf32, #tpu.memory_space<vmem_shared>> -> memref<640x128xf32, #tpu.memory_space<vmem_shared>>
      tpu.wait_dma2 semaphore(%run_scoped3A_28 : memref<!tpu.dma_semaphore, #tpu.memory_space<semaphore_mem>>) src(%arg5 : memref<640x128xf32, #tpu.memory_space<hbm>>) dst(%dma_wait3A_32 : memref<640x128xf32, #tpu.memory_space<vmem_shared>>)
      tpu.yield
    }) : () -> ()
    %barrier3A = arith.constant 0 : index
    tpu.barrier barrier_id(%barrier3A)
    %multiple_of3A_6 = arith.constant 0 : i32
    %multiple_of3A_7 = tpu.assume_multiple %multiple_of3A_6, 8 : i32
    %dma_start3A = tpu.memref_slice %arg7[%multiple_of3A_7] : memref<10000xi32, #tpu.memory_space<vmem>> -> memref<80xi32, #tpu.memory_space<vmem>>
    %dma_start3A_8 = arith.constant 0 : i32
    %dma_start3A_9 = arith.constant 0 : i32
    %dma_start3A_10 = tpu.memref_slice %arg2[%dma_start3A_8, %dma_start3A_9] : memref<10000x128xf32, #tpu.memory_space<hbm>> -> memref<10000x128xf32, #tpu.memory_space<hbm>>
    tpu.enqueue_indirect_dma source(%dma_start3A_10 : memref<10000x128xf32, #tpu.memory_space<hbm>>) target(%arg9 : memref<80x128xf32, #tpu.memory_space<vmem>>) offsets(%dma_start3A : memref<80xi32, #tpu.memory_space<vmem>>) semaphore(%arg12 : memref<!tpu.dma_semaphore, #tpu.memory_space<semaphore_mem>>)
    %scan3A = arith.constant 0 : i32
    %scan3A_11 = arith.constant 0 : i32
    %scan3A_12 = arith.constant 62 : i32
    %scan3A_13 = arith.addi %scan3A_11, %scan3A_12 : i32
    %scan3A_14 = arith.constant 1 : i32
    scf.for %scan3A_28 = %scan3A_11 to %scan3A_13 step %scan3A_14  : i32 {
      %mul3A_29 = arith.constant 2 : i32
      %mul3A_30 = arith.muli %mul3A_29, %scan3A_28 : i32
      %add3A_31 = arith.constant 1 : i32
      %add3A_32 = arith.addi %mul3A_30, %add3A_31 : i32
      %add3A_33 = arith.constant 2 : i32
      %add3A_34 = arith.addi %mul3A_30, %add3A_33 : i32
      %mul3A_35 = arith.constant 80 : i32
      %mul3A_36 = arith.muli %add3A_32, %mul3A_35 : i32
      %multiple_of3A_37 = tpu.assume_multiple %mul3A_36, 8 : i32
      %dma_start3A_38 = tpu.memref_slice %arg7[%multiple_of3A_37] : memref<10000xi32, #tpu.memory_space<vmem>> -> memref<80xi32, #tpu.memory_space<vmem>>
      %dma_start3A_39 = arith.constant 0 : i32
      %dma_start3A_40 = arith.constant 0 : i32
      %dma_start3A_41 = tpu.memref_slice %arg2[%dma_start3A_39, %dma_start3A_40] : memref<10000x128xf32, #tpu.memory_space<hbm>> -> memref<10000x128xf32, #tpu.memory_space<hbm>>
      tpu.enqueue_indirect_dma source(%dma_start3A_41 : memref<10000x128xf32, #tpu.memory_space<hbm>>) target(%arg10 : memref<80x128xf32, #tpu.memory_space<vmem>>) offsets(%dma_start3A_38 : memref<80xi32, #tpu.memory_space<vmem>>) semaphore(%arg13 : memref<!tpu.dma_semaphore, #tpu.memory_space<semaphore_mem>>)
      %mul3A_42 = arith.constant 80 : i32
      %mul3A_43 = arith.muli %mul3A_30, %mul3A_42 : i32
      %multiple_of3A_44 = tpu.assume_multiple %mul3A_43, 8 : i32
      %dma_wait3A_45 = tpu.memref_slice %arg7[%multiple_of3A_44] : memref<10000xi32, #tpu.memory_space<vmem>> -> memref<80xi32, #tpu.memory_space<vmem>>
      %dma_wait3A_46 = arith.constant 0 : i32
      %dma_wait3A_47 = arith.constant 0 : i32
      %dma_wait3A_48 = tpu.memref_slice %arg2[%dma_wait3A_46, %dma_wait3A_47] : memref<10000x128xf32, #tpu.memory_space<hbm>> -> memref<10000x128xf32, #tpu.memory_space<hbm>>
      tpu.wait_indirect_dma semaphore(%arg12 : memref<!tpu.dma_semaphore, #tpu.memory_space<semaphore_mem>>) src(%dma_wait3A_48 : memref<10000x128xf32, #tpu.memory_space<hbm>>) dst(%arg9 : memref<80x128xf32, #tpu.memory_space<vmem>>)
      "tpu.region"() ({
        %run_scoped3A_63 = tpu.sem_alloc : memref<!tpu.dma_semaphore, #tpu.memory_space<semaphore_mem>>
        %dma_start3A_64 = arith.constant 0 : i32
        %dma_start3A_65 = tpu.memref_slice %arg8[%mul3A_30, %dma_start3A_64] : memref<125x80xi32, #tpu.memory_space<vmem>> -> memref<1x80xi32, #tpu.memory_space<vmem>>
        %dma_start3A_66 = tpu.memref_squeeze %dma_start3A_65 : memref<1x80xi32, #tpu.memory_space<vmem>> -> memref<80xi32, #tpu.memory_space<vmem>>
        %dma_start3A_67 = arith.constant 0 : i32
        %dma_start3A_68 = arith.constant 0 : i32
        %dma_start3A_69 = tpu.memref_slice %arg11[%dma_start3A_67, %dma_start3A_68] : memref<10240x128xf32, #tpu.memory_space<vmem_shared>> -> memref<10240x128xf32, #tpu.memory_space<vmem_shared>>
        tpu.enqueue_indirect_dma source(%arg9 : memref<80x128xf32, #tpu.memory_space<vmem>>) target(%dma_start3A_69 : memref<10240x128xf32, #tpu.memory_space<vmem_shared>>) offsets(%dma_start3A_66 : memref<80xi32, #tpu.memory_space<vmem>>) semaphore(%run_scoped3A_63 : memref<!tpu.dma_semaphore, #tpu.memory_space<semaphore_mem>>) {add = true}
        %dma_wait3A_70 = arith.constant 0 : i32
        %dma_wait3A_71 = tpu.memref_slice %arg8[%mul3A_30, %dma_wait3A_70] : memref<125x80xi32, #tpu.memory_space<vmem>> -> memref<1x80xi32, #tpu.memory_space<vmem>>
        %dma_wait3A_72 = tpu.memref_squeeze %dma_wait3A_71 : memref<1x80xi32, #tpu.memory_space<vmem>> -> memref<80xi32, #tpu.memory_space<vmem>>
        %dma_wait3A_73 = arith.constant 0 : i32
        %dma_wait3A_74 = arith.constant 0 : i32
        %dma_wait3A_75 = tpu.memref_slice %arg11[%dma_wait3A_73, %dma_wait3A_74] : memref<10240x128xf32, #tpu.memory_space<vmem_shared>> -> memref<10240x128xf32, #tpu.memory_space<vmem_shared>>
        tpu.wait_indirect_dma semaphore(%run_scoped3A_63 : memref<!tpu.dma_semaphore, #tpu.memory_space<semaphore_mem>>) src(%arg9 : memref<80x128xf32, #tpu.memory_space<vmem>>) dst(%dma_wait3A_75 : memref<10240x128xf32, #tpu.memory_space<vmem_shared>>)
        tpu.yield
      }) : () -> ()
      %mul3A_49 = arith.constant 80 : i32
      %mul3A_50 = arith.muli %add3A_34, %mul3A_49 : i32
      %multiple_of3A_51 = tpu.assume_multiple %mul3A_50, 8 : i32
      %dma_start3A_52 = tpu.memref_slice %arg7[%multiple_of3A_51] : memref<10000xi32, #tpu.memory_space<vmem>> -> memref<80xi32, #tpu.memory_space<vmem>>
      %dma_start3A_53 = arith.constant 0 : i32
      %dma_start3A_54 = arith.constant 0 : i32
      %dma_start3A_55 = tpu.memref_slice %arg2[%dma_start3A_53, %dma_start3A_54] : memref<10000x128xf32, #tpu.memory_space<hbm>> -> memref<10000x128xf32, #tpu.memory_space<hbm>>
      tpu.enqueue_indirect_dma source(%dma_start3A_55 : memref<10000x128xf32, #tpu.memory_space<hbm>>) target(%arg9 : memref<80x128xf32, #tpu.memory_space<vmem>>) offsets(%dma_start3A_52 : memref<80xi32, #tpu.memory_space<vmem>>) semaphore(%arg12 : memref<!tpu.dma_semaphore, #tpu.memory_space<semaphore_mem>>)
      %mul3A_56 = arith.constant 80 : i32
      %mul3A_57 = arith.muli %add3A_32, %mul3A_56 : i32
      %multiple_of3A_58 = tpu.assume_multiple %mul3A_57, 8 : i32
      %dma_wait3A_59 = tpu.memref_slice %arg7[%multiple_of3A_58] : memref<10000xi32, #tpu.memory_space<vmem>> -> memref<80xi32, #tpu.memory_space<vmem>>
      %dma_wait3A_60 = arith.constant 0 : i32
      %dma_wait3A_61 = arith.constant 0 : i32
      %dma_wait3A_62 = tpu.memref_slice %arg2[%dma_wait3A_60, %dma_wait3A_61] : memref<10000x128xf32, #tpu.memory_space<hbm>> -> memref<10000x128xf32, #tpu.memory_space<hbm>>
      tpu.wait_indirect_dma semaphore(%arg13 : memref<!tpu.dma_semaphore, #tpu.memory_space<semaphore_mem>>) src(%dma_wait3A_62 : memref<10000x128xf32, #tpu.memory_space<hbm>>) dst(%arg10 : memref<80x128xf32, #tpu.memory_space<vmem>>)
      "tpu.region"() ({
        %run_scoped3A_63 = tpu.sem_alloc : memref<!tpu.dma_semaphore, #tpu.memory_space<semaphore_mem>>
        %dma_start3A_64 = arith.constant 0 : i32
        %dma_start3A_65 = tpu.memref_slice %arg8[%add3A_32, %dma_start3A_64] : memref<125x80xi32, #tpu.memory_space<vmem>> -> memref<1x80xi32, #tpu.memory_space<vmem>>
        %dma_start3A_66 = tpu.memref_squeeze %dma_start3A_65 : memref<1x80xi32, #tpu.memory_space<vmem>> -> memref<80xi32, #tpu.memory_space<vmem>>
        %dma_start3A_67 = arith.constant 0 : i32
        %dma_start3A_68 = arith.constant 0 : i32
        %dma_start3A_69 = tpu.memref_slice %arg11[%dma_start3A_67, %dma_start3A_68] : memref<10240x128xf32, #tpu.memory_space<vmem_shared>> -> memref<10240x128xf32, #tpu.memory_space<vmem_shared>>
        tpu.enqueue_indirect_dma source(%arg10 : memref<80x128xf32, #tpu.memory_space<vmem>>) target(%dma_start3A_69 : memref<10240x128xf32, #tpu.memory_space<vmem_shared>>) offsets(%dma_start3A_66 : memref<80xi32, #tpu.memory_space<vmem>>) semaphore(%run_scoped3A_63 : memref<!tpu.dma_semaphore, #tpu.memory_space<semaphore_mem>>) {add = true}
        %dma_wait3A_70 = arith.constant 0 : i32
        %dma_wait3A_71 = tpu.memref_slice %arg8[%add3A_32, %dma_wait3A_70] : memref<125x80xi32, #tpu.memory_space<vmem>> -> memref<1x80xi32, #tpu.memory_space<vmem>>
        %dma_wait3A_72 = tpu.memref_squeeze %dma_wait3A_71 : memref<1x80xi32, #tpu.memory_space<vmem>> -> memref<80xi32, #tpu.memory_space<vmem>>
        %dma_wait3A_73 = arith.constant 0 : i32
        %dma_wait3A_74 = arith.constant 0 : i32
        %dma_wait3A_75 = tpu.memref_slice %arg11[%dma_wait3A_73, %dma_wait3A_74] : memref<10240x128xf32, #tpu.memory_space<vmem_shared>> -> memref<10240x128xf32, #tpu.memory_space<vmem_shared>>
        tpu.wait_indirect_dma semaphore(%run_scoped3A_63 : memref<!tpu.dma_semaphore, #tpu.memory_space<semaphore_mem>>) src(%arg10 : memref<80x128xf32, #tpu.memory_space<vmem>>) dst(%dma_wait3A_75 : memref<10240x128xf32, #tpu.memory_space<vmem_shared>>)
        tpu.yield
      }) : () -> ()
    }
    %scan3A_15 = arith.constant 62 : i32
    %multiple_of3A_16 = arith.constant 9920 : i32
    %multiple_of3A_17 = tpu.assume_multiple %multiple_of3A_16, 8 : i32
    %dma_wait3A = tpu.memref_slice %arg7[%multiple_of3A_17] : memref<10000xi32, #tpu.memory_space<vmem>> -> memref<80xi32, #tpu.memory_space<vmem>>
    %dma_wait3A_18 = arith.constant 0 : i32
    %dma_wait3A_19 = arith.constant 0 : i32
    %dma_wait3A_20 = tpu.memref_slice %arg2[%dma_wait3A_18, %dma_wait3A_19] : memref<10000x128xf32, #tpu.memory_space<hbm>> -> memref<10000x128xf32, #tpu.memory_space<hbm>>
    tpu.wait_indirect_dma semaphore(%arg12 : memref<!tpu.dma_semaphore, #tpu.memory_space<semaphore_mem>>) src(%dma_wait3A_20 : memref<10000x128xf32, #tpu.memory_space<hbm>>) dst(%arg9 : memref<80x128xf32, #tpu.memory_space<vmem>>)
    %run_scoped3A = arith.constant 124 : i32
    "tpu.region"() ({
      %run_scoped3A_28 = tpu.sem_alloc : memref<!tpu.dma_semaphore, #tpu.memory_space<semaphore_mem>>
      %dma_start3A_29 = arith.constant 0 : i32
      %dma_start3A_30 = tpu.memref_slice %arg8[%run_scoped3A, %dma_start3A_29] : memref<125x80xi32, #tpu.memory_space<vmem>> -> memref<1x80xi32, #tpu.memory_space<vmem>>
      %dma_start3A_31 = tpu.memref_squeeze %dma_start3A_30 : memref<1x80xi32, #tpu.memory_space<vmem>> -> memref<80xi32, #tpu.memory_space<vmem>>
      %dma_start3A_32 = arith.constant 0 : i32
      %dma_start3A_33 = arith.constant 0 : i32
      %dma_start3A_34 = tpu.memref_slice %arg11[%dma_start3A_32, %dma_start3A_33] : memref<10240x128xf32, #tpu.memory_space<vmem_shared>> -> memref<10240x128xf32, #tpu.memory_space<vmem_shared>>
      tpu.enqueue_indirect_dma source(%arg9 : memref<80x128xf32, #tpu.memory_space<vmem>>) target(%dma_start3A_34 : memref<10240x128xf32, #tpu.memory_space<vmem_shared>>) offsets(%dma_start3A_31 : memref<80xi32, #tpu.memory_space<vmem>>) semaphore(%run_scoped3A_28 : memref<!tpu.dma_semaphore, #tpu.memory_space<semaphore_mem>>) {add = true}
      %dma_wait3A_35 = arith.constant 0 : i32
      %dma_wait3A_36 = tpu.memref_slice %arg8[%run_scoped3A, %dma_wait3A_35] : memref<125x80xi32, #tpu.memory_space<vmem>> -> memref<1x80xi32, #tpu.memory_space<vmem>>
      %dma_wait3A_37 = tpu.memref_squeeze %dma_wait3A_36 : memref<1x80xi32, #tpu.memory_space<vmem>> -> memref<80xi32, #tpu.memory_space<vmem>>
      %dma_wait3A_38 = arith.constant 0 : i32
      %dma_wait3A_39 = arith.constant 0 : i32
      %dma_wait3A_40 = tpu.memref_slice %arg11[%dma_wait3A_38, %dma_wait3A_39] : memref<10240x128xf32, #tpu.memory_space<vmem_shared>> -> memref<10240x128xf32, #tpu.memory_space<vmem_shared>>
      tpu.wait_indirect_dma semaphore(%run_scoped3A_28 : memref<!tpu.dma_semaphore, #tpu.memory_space<semaphore_mem>>) src(%arg9 : memref<80x128xf32, #tpu.memory_space<vmem>>) dst(%dma_wait3A_40 : memref<10240x128xf32, #tpu.memory_space<vmem_shared>>)
      tpu.yield
    }) : () -> ()
    %barrier3A_21 = arith.constant 0 : index
    tpu.barrier barrier_id(%barrier3A_21)
    %mul3A_22 = arith.constant 10240 : i32
    %mul3A_23 = arith.muli %arg0, %mul3A_22 : i32
    %mul3A_24 = arith.constant 640 : i32
    %mul3A_25 = arith.muli %arg1, %mul3A_24 : i32
    %add3A_26 = arith.addi %mul3A_23, %mul3A_25 : i32
    %multiple_of3A_27 = tpu.assume_multiple %add3A_26, 8 : i32
    "tpu.region"() ({
      %run_scoped3A_28 = tpu.sem_alloc : memref<!tpu.dma_semaphore, #tpu.memory_space<semaphore_mem>>
      %dma_start3A_29 = arith.constant 0 : i32
      %dma_start3A_30 = tpu.memref_slice %arg6[%multiple_of3A_27, %dma_start3A_29] : memref<20480x128xf32, #tpu.memory_space<hbm>> -> memref<640x128xf32, #tpu.memory_space<hbm>>
      %dma_start3A_31 = arith.constant 0 : i32
      %dma_start3A_32 = tpu.memref_slice %arg11[%multiple_of3A, %dma_start3A_31] : memref<10240x128xf32, #tpu.memory_space<vmem_shared>> -> memref<640x128xf32, #tpu.memory_space<vmem_shared>>
      tpu.enqueue_dma source(%dma_start3A_32 : memref<640x128xf32, #tpu.memory_space<vmem_shared>>) target(%dma_start3A_30 : memref<640x128xf32, #tpu.memory_space<hbm>>) target_semaphore(%run_scoped3A_28 : memref<!tpu.dma_semaphore, #tpu.memory_space<semaphore_mem>>)
      %dma_wait3A_33 = arith.constant 0 : i32
      %dma_wait3A_34 = tpu.memref_slice %arg6[%multiple_of3A_27, %dma_wait3A_33] : memref<20480x128xf32, #tpu.memory_space<hbm>> -> memref<640x128xf32, #tpu.memory_space<hbm>>
      %dma_wait3A_35 = arith.constant 0 : i32
      %dma_wait3A_36 = tpu.memref_slice %arg11[%multiple_of3A, %dma_wait3A_35] : memref<10240x128xf32, #tpu.memory_space<vmem_shared>> -> memref<640x128xf32, #tpu.memory_space<vmem_shared>>
      tpu.wait_dma2 semaphore(%run_scoped3A_28 : memref<!tpu.dma_semaphore, #tpu.memory_space<semaphore_mem>>) src(%dma_wait3A_36 : memref<640x128xf32, #tpu.memory_space<vmem_shared>>) dst(%dma_wait3A_34 : memref<640x128xf32, #tpu.memory_space<hbm>>)
      tpu.yield
    }) : () -> ()
    return
  }
}

module attributes {stable_mosaic.version = 14 : i64} {
  func.func @_tc_prescale(%arg0: memref<10000x128xf32, #tpu.memory_space<vmem>>, %arg1: memref<128x128xf32, #tpu.memory_space<vmem>>, %arg2: memref<32x10240xf32, #tpu.memory_space<vmem>>, %arg3: memref<10000x128xf32, #tpu.memory_space<vmem>>) attributes {dimension_semantics = [], scalar_prefetch = 0 : i64, scratch_operands = 0 : i64, tpu.core_type = #tpu.core_type<tc>} {
    %broadcast_in_dim3A = arith.constant 1.000000e+00 : f32
    %broadcast_in_dim3A_0 = vector.broadcast %broadcast_in_dim3A : f32 to vector<32x1xf32>
    %get3A = arith.constant 0 : index
    %get3A_1 = arith.constant 0 : index
    %get3A_2 = vector.load %arg2[%get3A, %get3A_1] : memref<32x10240xf32, #tpu.memory_space<vmem>>, vector<32x10240xf32>
    %dot_general3A = arith.constant dense<0.000000e+00> : vector<10240x1xf32>
    %dot_general3A_3 = tpu.matmul %get3A_2, %broadcast_in_dim3A_0, %dot_general3A {dimension_numbers = #tpu.dot_dimension_numbers<[0], [0], [1], [1], [0, 1, 1, 1], [], []>, transpose_lhs_hint = false} : vector<32x10240xf32>, vector<32x1xf32>, vector<10240x1xf32> -> vector<10240x1xf32>
    %slice3A = vector.extract_strided_slice %dot_general3A_3 {offsets = [0, 0], sizes = [10000, 1], strides = [1, 1]} : vector<10240x1xf32> to vector<10000x1xf32>
    %add3A = arith.constant 1.000000e+00 : f32
    %add3A_4 = vector.broadcast %add3A : f32 to vector<10000x1xf32>
    %add3A_5 = arith.addf %slice3A, %add3A_4 : vector<10000x1xf32>
    %rsqrt3A = math.rsqrt %add3A_5 : vector<10000x1xf32>
    %get3A_6 = arith.constant 0 : index
    %get3A_7 = arith.constant 0 : index
    %get3A_8 = vector.load %arg0[%get3A_6, %get3A_7] : memref<10000x128xf32, #tpu.memory_space<vmem>>, vector<10000x128xf32>
    %get3A_9 = arith.constant 0 : index
    %get3A_10 = arith.constant 0 : index
    %get3A_11 = vector.load %arg1[%get3A_9, %get3A_10] : memref<128x128xf32, #tpu.memory_space<vmem>>, vector<128x128xf32>
    %dot_general3A_12 = arith.constant dense<0.000000e+00> : vector<10000x128xf32>
    %dot_general3A_13 = tpu.matmul %get3A_8, %get3A_11, %dot_general3A_12 {dimension_numbers = #tpu.dot_dimension_numbers<[1], [0], [0], [1], [0, 0, 1, 1], [], []>, transpose_lhs_hint = false} : vector<10000x128xf32>, vector<128x128xf32>, vector<10000x128xf32> -> vector<10000x128xf32>
    %mul3A = vector.broadcast %rsqrt3A : vector<10000x1xf32> to vector<10000x128xf32>
    %mul3A_14 = arith.mulf %dot_general3A_13, %mul3A : vector<10000x128xf32>
    %swap3A = arith.constant 0 : index
    %swap3A_15 = arith.constant 0 : index
    %swap3A_16 = vector.load %arg3[%swap3A, %swap3A_15] : memref<10000x128xf32, #tpu.memory_space<vmem>>, vector<10000x128xf32>
    tpu.vector_store %arg3[%swap3A, %swap3A_15], %mul3A_14 {strides = array<i32>} : memref<10000x128xf32, #tpu.memory_space<vmem>>, vector<10000x128xf32>,
    return
  }
}

module attributes {stable_mosaic.version = 14 : i64} {
  func.func @_tc_mid(%arg0: memref<20480x128xf32, #tpu.memory_space<vmem>>, %arg1: memref<10000x128xf32, #tpu.memory_space<vmem>>, %arg2: memref<32x10240xf32, #tpu.memory_space<vmem>>, %arg3: memref<1x128xf32, #tpu.memory_space<vmem>>, %arg4: memref<128x128xf32, #tpu.memory_space<vmem>>, %arg5: memref<10000x128xf32, #tpu.memory_space<vmem>>) attributes {dimension_semantics = [], scalar_prefetch = 0 : i64, scratch_operands = 0 : i64, tpu.core_type = #tpu.core_type<tc>} {
    %broadcast_in_dim3A = arith.constant 1.000000e+00 : f32
    %broadcast_in_dim3A_0 = vector.broadcast %broadcast_in_dim3A : f32 to vector<32x1xf32>
    %get3A = arith.constant 0 : index
    %get3A_1 = arith.constant 0 : index
    %get3A_2 = vector.load %arg2[%get3A, %get3A_1] : memref<32x10240xf32, #tpu.memory_space<vmem>>, vector<32x10240xf32>
    %dot_general3A = arith.constant dense<0.000000e+00> : vector<10240x1xf32>
    %dot_general3A_3 = tpu.matmul %get3A_2, %broadcast_in_dim3A_0, %dot_general3A {dimension_numbers = #tpu.dot_dimension_numbers<[0], [0], [1], [1], [0, 1, 1, 1], [], []>, transpose_lhs_hint = false} : vector<32x10240xf32>, vector<32x1xf32>, vector<10240x1xf32> -> vector<10240x1xf32>
    %slice3A = vector.extract_strided_slice %dot_general3A_3 {offsets = [0, 0], sizes = [10000, 1], strides = [1, 1]} : vector<10240x1xf32> to vector<10000x1xf32>
    %add3A = arith.constant 1.000000e+00 : f32
    %add3A_4 = vector.broadcast %add3A : f32 to vector<10000x1xf32>
    %add3A_5 = arith.addf %slice3A, %add3A_4 : vector<10000x1xf32>
    %rsqrt3A = math.rsqrt %add3A_5 : vector<10000x1xf32>
    %get3A_6 = arith.constant 0 : index
    %get3A_7 = arith.constant 0 : index
    %get3A_8 = vector.load %arg0[%get3A_6, %get3A_7] : memref<20480x128xf32, #tpu.memory_space<vmem>>, vector<10000x128xf32>
    %get3A_9 = arith.constant 10240 : index
    %get3A_10 = arith.constant 0 : index
    %get3A_11 = vector.load %arg0[%get3A_9, %get3A_10] : memref<20480x128xf32, #tpu.memory_space<vmem>>, vector<10000x128xf32>
    %add3A_12 = arith.addf %get3A_8, %get3A_11 : vector<10000x128xf32>
    %get3A_13 = arith.constant 0 : index
    %get3A_14 = arith.constant 0 : index
    %get3A_15 = vector.load %arg1[%get3A_13, %get3A_14] : memref<10000x128xf32, #tpu.memory_space<vmem>>, vector<10000x128xf32>
    %add3A_16 = arith.addf %add3A_12, %get3A_15 : vector<10000x128xf32>
    %mul3A = vector.broadcast %rsqrt3A : vector<10000x1xf32> to vector<10000x128xf32>
    %mul3A_17 = arith.mulf %mul3A, %add3A_16 : vector<10000x128xf32>
    %get3A_18 = arith.constant 0 : index
    %get3A_19 = arith.constant 0 : index
    %get3A_20 = vector.load %arg3[%get3A_18, %get3A_19] : memref<1x128xf32, #tpu.memory_space<vmem>>, vector<1x128xf32>
    %add3A_21 = vector.broadcast %get3A_20 : vector<1x128xf32> to vector<10000x128xf32>
    %add3A_22 = arith.addf %mul3A_17, %add3A_21 : vector<10000x128xf32>
    %max3A = arith.constant 0.000000e+00 : f32
    %max3A_23 = vector.broadcast %max3A : f32 to vector<10000x128xf32>
    %max3A_24 = arith.maximumf %add3A_22, %max3A_23 : vector<10000x128xf32>
    %get3A_25 = arith.constant 0 : index
    %get3A_26 = arith.constant 0 : index
    %get3A_27 = vector.load %arg4[%get3A_25, %get3A_26] : memref<128x128xf32, #tpu.memory_space<vmem>>, vector<128x128xf32>
    %dot_general3A_28 = arith.constant dense<0.000000e+00> : vector<10000x128xf32>
    %dot_general3A_29 = tpu.matmul %max3A_24, %get3A_27, %dot_general3A_28 {dimension_numbers = #tpu.dot_dimension_numbers<[1], [0], [0], [1], [0, 0, 1, 1], [], []>, transpose_lhs_hint = false} : vector<10000x128xf32>, vector<128x128xf32>, vector<10000x128xf32> -> vector<10000x128xf32>
    %mul3A_30 = vector.broadcast %rsqrt3A : vector<10000x1xf32> to vector<10000x128xf32>
    %mul3A_31 = arith.mulf %dot_general3A_29, %mul3A_30 : vector<10000x128xf32>
    %swap3A = arith.constant 0 : index
    %swap3A_32 = arith.constant 0 : index
    %swap3A_33 = vector.load %arg5[%swap3A, %swap3A_32] : memref<10000x128xf32, #tpu.memory_space<vmem>>, vector<10000x128xf32>
    tpu.vector_store %arg5[%swap3A, %swap3A_32], %mul3A_31 {strides = array<i32>} : memref<10000x128xf32, #tpu.memory_space<vmem>>, vector<10000x128xf32>,
    return
  }
}

module attributes {stable_mosaic.version = 14 : i64} {
  func.func @_tc_head(%arg0: memref<20480x128xf32, #tpu.memory_space<vmem>>, %arg1: memref<10000x128xf32, #tpu.memory_space<vmem>>, %arg2: memref<32x10240xf32, #tpu.memory_space<vmem>>, %arg3: memref<1x128xf32, #tpu.memory_space<vmem>>, %arg4: memref<1x10000xi32, #tpu.memory_space<vmem>>, %arg5: memref<128x1xf32, #tpu.memory_space<vmem>>, %arg6: memref<1x1xf32, #tpu.memory_space<vmem>>, %arg7: memref<64x1xf32, #tpu.memory_space<vmem>>) attributes {dimension_semantics = [], scalar_prefetch = 0 : i64, scratch_operands = 0 : i64, tpu.core_type = #tpu.core_type<tc>} {
    %broadcast_in_dim3A = arith.constant 1.000000e+00 : f32
    %broadcast_in_dim3A_0 = vector.broadcast %broadcast_in_dim3A : f32 to vector<32x1xf32>
    %get3A = arith.constant 0 : index
    %get3A_1 = arith.constant 0 : index
    %get3A_2 = vector.load %arg2[%get3A, %get3A_1] : memref<32x10240xf32, #tpu.memory_space<vmem>>, vector<32x10240xf32>
    %dot_general3A = arith.constant dense<0.000000e+00> : vector<10240x1xf32>
    %dot_general3A_3 = tpu.matmul %get3A_2, %broadcast_in_dim3A_0, %dot_general3A {dimension_numbers = #tpu.dot_dimension_numbers<[0], [0], [1], [1], [0, 1, 1, 1], [], []>, transpose_lhs_hint = false} : vector<32x10240xf32>, vector<32x1xf32>, vector<10240x1xf32> -> vector<10240x1xf32>
    %slice3A = vector.extract_strided_slice %dot_general3A_3 {offsets = [0, 0], sizes = [10000, 1], strides = [1, 1]} : vector<10240x1xf32> to vector<10000x1xf32>
    %add3A = arith.constant 1.000000e+00 : f32
    %add3A_4 = vector.broadcast %add3A : f32 to vector<10000x1xf32>
    %add3A_5 = arith.addf %slice3A, %add3A_4 : vector<10000x1xf32>
    %rsqrt3A = math.rsqrt %add3A_5 : vector<10000x1xf32>
    %get3A_6 = arith.constant 0 : index
    %get3A_7 = arith.constant 0 : index
    %get3A_8 = vector.load %arg0[%get3A_6, %get3A_7] : memref<20480x128xf32, #tpu.memory_space<vmem>>, vector<10000x128xf32>
    %get3A_9 = arith.constant 10240 : index
    %get3A_10 = arith.constant 0 : index
    %get3A_11 = vector.load %arg0[%get3A_9, %get3A_10] : memref<20480x128xf32, #tpu.memory_space<vmem>>, vector<10000x128xf32>
    %add3A_12 = arith.addf %get3A_8, %get3A_11 : vector<10000x128xf32>
    %get3A_13 = arith.constant 0 : index
    %get3A_14 = arith.constant 0 : index
    %get3A_15 = vector.load %arg1[%get3A_13, %get3A_14] : memref<10000x128xf32, #tpu.memory_space<vmem>>, vector<10000x128xf32>
    %add3A_16 = arith.addf %add3A_12, %get3A_15 : vector<10000x128xf32>
    %mul3A = vector.broadcast %rsqrt3A : vector<10000x1xf32> to vector<10000x128xf32>
    %mul3A_17 = arith.mulf %mul3A, %add3A_16 : vector<10000x128xf32>
    %get3A_18 = arith.constant 0 : index
    %get3A_19 = arith.constant 0 : index
    %get3A_20 = vector.load %arg3[%get3A_18, %get3A_19] : memref<1x128xf32, #tpu.memory_space<vmem>>, vector<1x128xf32>
    %add3A_21 = vector.broadcast %get3A_20 : vector<1x128xf32> to vector<10000x128xf32>
    %add3A_22 = arith.addf %mul3A_17, %add3A_21 : vector<10000x128xf32>
    %max3A = arith.constant 0.000000e+00 : f32
    %max3A_23 = vector.broadcast %max3A : f32 to vector<10000x128xf32>
    %max3A_24 = arith.maximumf %add3A_22, %max3A_23 : vector<10000x128xf32>
    %iota3A = tpu.iota {dimensions = array<i32: 0>} : vector<64x10000xi32>
    %get3A_25 = arith.constant 0 : index
    %get3A_26 = arith.constant 0 : index
    %get3A_27 = vector.load %arg4[%get3A_25, %get3A_26] : memref<1x10000xi32, #tpu.memory_space<vmem>>, vector<1x10000xi32>
    %eq3A = vector.broadcast %get3A_27 : vector<1x10000xi32> to vector<64x10000xi32>
    %eq3A_28 = arith.cmpi eq, %iota3A, %eq3A : vector<64x10000xi32>
    %convert_element_type3A = arith.extui %eq3A_28 : vector<64x10000xi1> to vector<64x10000xi32>
    %convert_element_type3A_29 = arith.sitofp %convert_element_type3A : vector<64x10000xi32> to vector<64x10000xf32>
    %dot_general3A_30 = arith.constant dense<0.000000e+00> : vector<64x128xf32>
    %dot_general3A_31 = tpu.matmul %convert_element_type3A_29, %max3A_24, %dot_general3A_30 {dimension_numbers = #tpu.dot_dimension_numbers<[1], [0], [0], [1], [0, 0, 1, 1], [], []>, transpose_lhs_hint = false} : vector<64x10000xf32>, vector<10000x128xf32>, vector<64x128xf32> -> vector<64x128xf32>
    %reduce_sum3A = arith.constant dense<0.000000e+00> : vector<64xf32>
    %reduce_sum3A_32 = vector.multi_reduction <add>, %convert_element_type3A_29, %reduce_sum3A [1] : vector<64x10000xf32> to vector<64xf32>
    %broadcast_in_dim3A_33 = vector.shape_cast %reduce_sum3A_32 : vector<64xf32> to vector<64x1xf32>
    %max3A_34 = arith.constant 1.000000e+00 : f32
    %max3A_35 = vector.broadcast %max3A_34 : f32 to vector<64x1xf32>
    %max3A_36 = arith.maximumf %broadcast_in_dim3A_33, %max3A_35 : vector<64x1xf32>
    %div3A = vector.broadcast %max3A_36 : vector<64x1xf32> to vector<64x128xf32>
    %div3A_37 = arith.divf %dot_general3A_31, %div3A : vector<64x128xf32>
    %get3A_38 = arith.constant 0 : index
    %get3A_39 = arith.constant 0 : index
    %get3A_40 = vector.load %arg5[%get3A_38, %get3A_39] : memref<128x1xf32, #tpu.memory_space<vmem>>, vector<128x1xf32>
    %dot_general3A_41 = arith.constant dense<0.000000e+00> : vector<64x1xf32>
    %dot_general3A_42 = tpu.matmul %div3A_37, %get3A_40, %dot_general3A_41 {dimension_numbers = #tpu.dot_dimension_numbers<[1], [0], [0], [1], [0, 0, 1, 1], [], []>, transpose_lhs_hint = false} : vector<64x128xf32>, vector<128x1xf32>, vector<64x1xf32> -> vector<64x1xf32>
    %get3A_43 = arith.constant 0 : index
    %get3A_44 = arith.constant 0 : index
    %get3A_45 = vector.load %arg6[%get3A_43, %get3A_44] : memref<1x1xf32, #tpu.memory_space<vmem>>, vector<1x1xf32>
    %add3A_46 = vector.broadcast %get3A_45 : vector<1x1xf32> to vector<64x1xf32>
    %add3A_47 = arith.addf %dot_general3A_42, %add3A_46 : vector<64x1xf32>
    %neg3A = arith.constant 0.000000e+00 : f32
    %neg3A_48 = vector.broadcast %neg3A : f32 to vector<64x1xf32>
    %neg3A_49 = arith.subf %neg3A_48, %add3A_47 : vector<64x1xf32>
    %exp3A = math.exp %neg3A_49 : vector<64x1xf32>
    %add3A_50 = arith.constant 1.000000e+00 : f32
    %add3A_51 = vector.broadcast %add3A_50 : f32 to vector<64x1xf32>
    %add3A_52 = arith.addf %add3A_51, %exp3A : vector<64x1xf32>
    %div3A_53 = arith.constant 1.000000e+00 : f32
    %div3A_54 = vector.broadcast %div3A_53 : f32 to vector<64x1xf32>
    %div3A_55 = arith.divf %div3A_54, %add3A_52 : vector<64x1xf32>
    %swap3A = arith.constant 0 : index
    %swap3A_56 = arith.constant 0 : index
    %swap3A_57 = vector.load %arg7[%swap3A, %swap3A_56] : memref<64x1xf32, #tpu.memory_space<vmem>>, vector<64x1xf32>
    tpu.vector_store %arg7[%swap3A, %swap3A_56], %div3A_55 {strides = array<i32>} : memref<64x1xf32, #tpu.memory_space<vmem>>, vector<64x1xf32>,
    return
  }
}

</mosaic_0001>

<sc_bundles>
// kernel: kernel.11.cloned.1.call-start
scs
__scs_entry_jumppad:
0x0: {  	(pc) =	sbr.rel $0x88, $3  }
0x1: {  	(tag) =	ssettag $0x0;
	lr =	simm.s32 $0x1  }
0x2: {  	[smem:$0x3F98] =	sst lr;
	_ =	strace $0xD0000000  }
0x3: {  	_ = 	snop  }
0x4: {  	_ = 	snop  }
0x5: {  	_ = 	snop  }
0x6: {  	_ = 	snop  }
0x7: {  	_ = 	snop  }
__scs_overlays_trampoline_lowered:
0x8: {  	[smem:$0x3FA7] =	sst s0  }
0x9: {  	[smem:$0x3FA8] =	sst s1  }
0xa: {  	[smem:$0x3FA9] =	sst s2  }
0xb: {  	[smem:$0x3FAA] =	sst s3  }
0xc: {  	[smem:$0x3FAB] =	sst s4  }
0xd: {  	[smem:$0x3FAC] =	sst s5  }
0xe: {  	[smem:$0x3FAD] =	sst s6  }
0xf: {  	[smem:$0x3FAE] =	sst s7  }
0x10: {  	[smem:$0x3FAF] =	sst s8  }
0x11: {  	[smem:$0x3FB0] =	sst s9;
	s0 =	simm.s32 @!p0 $0x0  }
0x12: {  	s1 =	sld [smem:$0x3F96];
	s0 =	simm.s32 @p0 $0x1  }
0x13: {  	[smem:$0x3FB1] =	sst s0;
	s0 =	simm.s32 @!p1 $0x0  }
0x14: {  	s2 =	sld [smem:$0x3F95];
	s0 =	simm.s32 @p1 $0x1  }
0x15: {  	[smem:$0x3FB2] =	sst s0;
	s0 =	simm.s32 @!p2 $0x0  }
0x16: {  	s3 =	sld [smem:$0x3FDB];
	s0 =	simm.s32 @p2 $0x1  }
0x17: {  	s4 =	simm.s32 $0x1BF5;
	[smem:$0x3FB4] =	sst s0  }
0x18: {  	s0 =	sld [smem:$0x3F97];
	_ =	swait.ge [sflag:s4], $0x0  }
0x19: {  	s7 =	sld [smem:$0x3F98]  }
0x1a: {  	s8 =	sadd.s32 $0xFFFFE003, lr  }
0x1b: {  	s9 =	sadd.s32 $0xFFFFFEF7, lr;
	s5 =	simm.s32 $0xFFFFFFFF;
	p2 =	slt.u32 s8, $0xFFFFF086  }
0x1c: {  	p1 =	slt.u32 s9, $0xF7A;
	s5 =	simm.s32 @!p2 $0x0  }
0x1d: {  	s5 =	simm.s32 @p1 $0x1;
	p0 =	seq.s32 s7, s2  }
0x1e: {  	s7 =	smul.u32 @!p0 $0xF7A, s2;
	p2 =	seq.s32 @!p0 s5, $0x0  }
0x1f: {  	s9 =	smul.u32 $0xF7A, s1;
	s8 =	simm.s32 @!p0 $0x1BF5;
	p2 =	por !p2, p0  }
0x20: {  	[sflag:s8] =	ssyncset.s32 @!p0 $0xFFFFF086;
	s6 =	sadd.s32 @!p0 s3, s7;
	s7 =	simm.s32 @!p0 $0x108  }
0x21: {  	s3 =	sadd.s32 s3, s9;
	s6 =	sadd.s32 @!p0 $0x88, s6;
	s7 =	simm.s32 @p2 $0x1082  }
0x22: {  	[simem:s7], [sflag:s8] =	dma.local @!p0 [hbm:s6], $0xF7A  }
0x23: {  	s9 =	sor.u32 $0xD0000000, s2;
	s6 =	simm.s32 $0x108;
	_ =	swait.ge @!p0 [sflag:s8], $0x0  }
0x24: {  	s3 =	sadd.s32 $0x88, s3;
	s6 =	simm.s32 @!p1 $0x1082;
	[sflag:s4] =	ssyncset.s32 $0xFFFFF086  }
0x25: {  	[simem:s6], [sflag:s4] =	dma.local [hbm:s3], $0xF7A  }
0x26: {  	[smem:$0x3F98] =	sst s1;
	(tag) =	ssettag s2;
	_ =	strace s9  }
0x27: {  	s1 =	sld [smem:$0x3FA8]  }
0x28: {  	s2 =	sld [smem:$0x3FA9]  }
0x29: {  	s4 =	sld [smem:$0x3FAB]  }
0x2a: {  	p0 =	seq.s32 s5, $0x0;
	s5 =	sld [smem:$0x3FAC]  }
0x2b: {  	s6 =	sld [smem:$0x3FAD]  }
0x2c: {  	s7 =	sld [smem:$0x3FAE]  }
0x2d: {  	s3 =	simm.s32 $0x108;
	s8 =	sld [smem:$0x3FAF]  }
0x2e: {  	s3 =	simm.s32 @!p0 $0x1082;
	s9 =	sld [smem:$0x3FB0]  }
0x2f: {  	lr =	sadd.s32 s0, s3;
	s0 =	sld [smem:$0x3FA7]  }
0x30: {  	s3 =	sld [smem:$0x3FAA]  }
0x31: {  	[smem:$0x3FB3] =	sst s10  }
0x32: {  	s10 =	sld [smem:$0x3FB1];
	_ =	sdelay $0x3  }
0x33: {  	p0 =	seq.s32 s10, $0x1;
	s10 =	sld [smem:$0x3FB3];
	_ =	sdelay $0x3  }
0x34: {  	[smem:$0x3FB3] =	sst s10  }
0x35: {  	s10 =	sld [smem:$0x3FB2];
	_ =	sdelay $0x3  }
0x36: {  	p1 =	seq.s32 s10, $0x1;
	s10 =	sld [smem:$0x3FB3];
	_ =	sdelay $0x3  }
0x37: {  	[smem:$0x3FB3] =	sst s10  }
0x38: {  	s10 =	sld [smem:$0x3FB4]  }
0x39: {  	_ = 	snop;
	(pc) =	sbr.ind lr, $3  }
0x3a: {  	_ = 	snop  }
0x3b: {  	_ = 	snop  }
0x3c: {  	p2 =	seq.s32 s10, $0x1;
	s10 =	sld [smem:$0x3FB3]  }
0x3d: {  	_ =	shalt  }
0x3e: {  	_ =	shalt  }
0x3f: {  	_ =	shalt  }
0x40: {  	_ =	shalt  }
0x41: {  	_ =	shalt  }
0x42: {  	_ =	shalt  }
0x43: {  	_ =	shalt  }
0x44: {  	_ =	shalt  }
0x45: {  	_ =	shalt  }
0x46: {  	_ =	shalt  }
0x47: {  	_ =	shalt  }
0x48: {  	_ =	shalt  }
0x49: {  	_ =	shalt  }
0x4a: {  	_ =	shalt  }
0x4b: {  	_ =	shalt  }
0x4c: {  	_ =	shalt  }
0x4d: {  	_ =	shalt  }
0x4e: {  	_ =	shalt  }
0x4f: {  	_ =	shalt  }
0x50: {  	_ =	shalt  }
0x51: {  	_ =	shalt  }
0x52: {  	_ =	shalt  }
0x53: {  	_ =	shalt  }
0x54: {  	_ =	shalt  }
0x55: {  	_ =	shalt  }
0x56: {  	_ =	shalt  }
0x57: {  	_ =	shalt  }
0x58: {  	_ =	shalt  }
0x59: {  	_ =	shalt  }
0x5a: {  	_ =	shalt  }
0x5b: {  	_ =	shalt  }
0x5c: {  	_ =	shalt  }
0x5d: {  	_ =	shalt  }
0x5e: {  	_ =	shalt  }
0x5f: {  	_ =	shalt  }
0x60: {  	_ =	shalt  }
0x61: {  	_ =	shalt  }
0x62: {  	_ =	shalt  }
0x63: {  	_ =	shalt  }
0x64: {  	_ =	shalt  }
0x65: {  	_ =	shalt  }
0x66: {  	_ =	shalt  }
0x67: {  	_ =	shalt  }
0x68: {  	_ =	shalt  }
0x69: {  	_ =	shalt  }
0x6a: {  	_ =	shalt  }
0x6b: {  	_ =	shalt  }
0x6c: {  	_ =	shalt  }
0x6d: {  	_ =	shalt  }
0x6e: {  	_ =	shalt  }
0x6f: {  	_ =	shalt  }
0x70: {  	_ =	shalt  }
0x71: {  	_ =	shalt  }
0x72: {  	_ =	shalt  }
0x73: {  	_ =	shalt  }
0x74: {  	_ =	shalt  }
0x75: {  	_ =	shalt  }
0x76: {  	_ =	shalt  }
0x77: {  	_ =	shalt  }
0x78: {  	_ =	shalt  }
0x79: {  	_ =	shalt  }
0x7a: {  	_ =	shalt  }
0x7b: {  	_ =	shalt  }
0x7c: {  	_ =	shalt  }
0x7d: {  	_ =	shalt  }
0x7e: {  	_ =	shalt  }
0x7f: {  	_ =	shalt  }
0x80: {  	_ =	shalt  }
0x81: {  	_ =	shalt  }
0x82: {  	_ =	shalt  }
0x83: {  	_ =	shalt  }
0x84: {  	_ =	shalt  }
0x85: {  	_ =	shalt  }
0x86: {  	_ =	shalt  }
0x87: {  	_ =	shalt  }
.Lfunc_end0:
.L_simem_size_0:
called_computation.1_lowered:
.L_overlay_start_0:
0x88: {  	s2 =	sld [smem:$0x3FD9]  }
0x89: {  	s3 =	sld [smem:$0x3FFE];
	_ =	sdelay $0x1  }
0x8a: {  	s1 =	srdreg.scid  }
0x8b: {  	s0 =	sand.u32 $0x1, s1  }
0x8c: {  	s16 =	sshll.u32 s0, $0xA;
	s2 =	sadd.s32 s3, s2  }
0x8d: {  	s2 =	sadd.s32 s2, s16  }
0x8e: {  	[smem:$0x3FBF] =	sst s2  }
0x8f: {  	_ = 	snop  }
0x90: {  	(tm) =	ssettm $0x1  }
0x91: {  	s17 =	sld [smem:$0x3FFB];
	_ =	sdelay $0x3  }
0x92: {  	_ =	strace s17  }
0x93: {  	s2 =	sld [smem:$0x3FFC];
	_ =	sdelay $0x3  }
0x94: {  	_ =	strace s2  }
0x95: {  	s2 =	sld [smem:$0x3FFD];
	_ =	sdelay $0x3  }
0x96: {  	_ =	strace s2  }
0x97: {  	_ =	strace $0x8FFFFFFF  }
0x98: {  	s18 =	sld [smem:$0x3FDB];
	_ =	sdelay $0x1  }
0x99: {  	s19 =	simm.s32 $_scs_section_size  }
0x9a: {  	s4 =	simm.s32 $_size__tile_overlayer_lowered;
	s5 =	simm.s32 $_tile_overlayer_lowered  }
0x9b: {  	s22 =	simm.s32 $0x1BFF;
	s21 =	sshll.u32 s5, $0x1;
	s2 =	sadd.s32 s19, s18  }
0x9c: {  	s6 =	simm.s32 $0x0;
	s20 =	sshll.u32 s4, $0x1;
	s4 =	sadd.s32 s21, s2  }
0x9d: {  	[timem:s6], [sflag:s22] =	dma.local [hbm:s4], s20  }
0x9e: {  	_ =	swait.ge [sflag:s22], s20  }
0x9f: {  	s3 =	ssub.s32 $0x0, s20;
	[sflag:s22] =	ssyncset.done $0x0  }
0xa0: {  	[sflag:s22] =	ssyncadd.s32 s3;
	_ =	sdelay $0x1  }
0xa1: {  	s23 =	simm.s32 $0x1B8B  }
0xa2: {  	_ =	swait.ge [sflag:s23], $0x1  }
0xa3: {  	[sflag:s23] =	ssyncset.done $0x0  }
0xa4: {  	s25 =	simm.s32 $0x1B8E;
	s24 =	sld [smem:$0x3FFE];
	[sflag:s23] =	ssyncadd.s32 $0xFFFFFFFF  }
0xa5: {  	s26 =	simm.s32 $execute0_lowered;
	[smem:$0x3FD2] =	sst s25  }
0xa6: {  	s4 =	sshll.u32 s26, $0x1;
	_ =	strace $0x80000049;
	[dreg:$0x1] =	wrdreg $0xFFFFFFFF  }
0xa7: {  	s28 =	simm.s32 $_size_execute0_lowered;
	s2 =	sadd.s32 s2, s4;
	[dreg:$0x0] =	wrdreg $0x0  }
0xa8: {  	s4 =	sshll.u32 s28, $0x1;
	[dreg:$0x2] =	wrdreg s2  }
0xa9: {  	[dreg:$0x3] =	wrdreg s4  }
0xaa: {  	[dreg:$0x4] =	wrdreg $0xC0  }
0xab: {  	_ =	task [dreg:s6], $0x5FFFF  }
0xac: {  	[dreg:$0x1] =	wrdreg $0xFFFFFFFF  }
0xad: {  	[dreg:$0x0] =	wrdreg $0x60  }
0xae: {  	[dreg:$0x2] =	wrdreg s24  }
0xaf: {  	[dreg:$0x3] =	wrdreg $0xB7800  }
0xb0: {  	[dreg:$0x4] =	wrdreg $0x9  }
0xb1: {  	_ =	task.clear_ibuf [dreg:s6], $0x5FFFF;
	_ =	strace $0x90000049  }
0xb2: {  	s29 =	simm.s32 $0x9;
	_ =	strace $0x8000004B  }
0xb3: {  	_ =	swait.ge [sflag:s29], $0x1  }
0xb4: {  	[sflag:s29] =	ssyncadd.s32 $0xFFFFFFFF  }
0xb5: {  	_ =	strace $0x9000004B  }
0xb6: {  	_ =	sfence  }
0xb7: {  	s30 =	sld [smem:$0x0];
	_ =	sdelay $0x2  }
0xb8: {  	s31 =	sshll.u32 s1, $0xD;
	s1 =	sshrl.u32 s1, $0x2  }
0xb9: {  	s3 =	sand.u32 $0x4000, s31;
	s1 =	sadd.s32 s1, s30  }
0xba: {  	s0 =	sor.u32 s3, s0;
	s1 =	sshll.u32 s1, $0x11  }
0xbb: {  	s0 =	sor.u32 s1, s0  }
0xbc: {  	s0 =	sadd.s32 $0x8F2B, s0  }
0xbd: {  	[sflag:s0] =	ssyncadd.remote.s32 $0x1  }
0xbe: {  	_ =	sfence.sel $0xFFFF  }
0xbf: {  	[dreg:$0x0] =	wrdreg $0xFFFFFFFF;
	(pc) =	sbr.abs _section_cstart, $3  }
0xc0: {  	[dreg:$0x1] =	wrdreg $0xFFFFFFFF  }
0xc1: {  	_ =	task.clear_ibuf [dreg:s6], $0x2FFFF;
	_ =	strace $0x9FFFFFFF  }
0xc2: {  	(tm) =	ssettm $0x7FFFFFFF  }
0xc3: {  	_ =	shalt  }
tec
execute0_lowered:
.L_overlay_start_1:
0x0: {  	(tag) =	ssettag $0x1  }
0x1: {  	s6 =	rddreg [dreg:$0x0];
	s1 =	srdreg.scid  }
0x2: {  	s0 =	stileid.u32;
	s2 =	rddreg [dreg:$0x1]  }
0x3: {  	s3 =	simm.s32 $0x0;
	s14 =	simm.s32 $0x50;
	s15 =	simm.s32 $0x6780  }
0x4: {  	s16 =	simm.s32 $0x8F80;
	s17 =	simm.s32 $0x1;
	s18 =	simm.s32 $0x2  }
0x5: {  	s19 =	simm.s32 $0x6580;
	s20 =	simm.s32 $0x0;
	s5 =	sand.u32 $0x1, s1  }
0x6: {  	s4 =	sshll.u32 s0, $0x1;
	s1 =	rddreg [dreg:$0x2];
	s9 =	smul.u32 $0x2800, s0  }
0x7: {  	[smem:$0x7FF] =	sst s3;
	s12 =	smul.u32 $0x50000, s0;
	s31 =	sshll.u32 s0, $0x6  }
0x8: {  	s7 =	sor.u32 s5, s4;
	_ =	strace $0x8000004A;
	s4 =	sadd.s32 $0x30800, s6  }
0x9: {  	s10 =	smul.u32 $0x28000, s5;
	s11 =	ssub.s32 $0x2, s5;
	s5 =	sadd.s32 $0x2600, s6  }
0xa: {  	s8 =	smul.u32 $0x4E2, s7;
	s7 =	sshll.u32 s7, $0xB;
	s29 =	sshrl.u32 s11, $0x1  }
0xb: {  	s30 =	sshrl.u32 s12, $0x2;
	s12 =	sor.u32 $0x1C03, s31;
	s7 =	sadd.s32 s7, s6  }
0xc: {  	s9 =	sadd.s32 s9, s10;
	s10 =	ssub.s32 s11, s29;
	s13 =	sadd.s32 s30, s2  }
0xd: {  	s11 =	simm.s32 $0x2780;
	s8 =	sadd.s32 s8, s6;
	s9 =	sadd.s32 s9, s6  }
0xe: {  	s7 =	sadd.s32 $0x20800, s7;
	s13 =	sshrl.u32 s13, $0x3;
	s6 =	sadd.s32 $0xC400, s8  }
0xf: {  	s8 =	sadd.s32 $0x57A00, s9;
	s9 =	smax.u32 s10, $0x1;
	s10 =	simm.s32 $0x3  }
.LBB2_1:
0x10: {  	[tilespmem:s3], [sflag:$0x3] =	stream.linear.gather [hbm4b:s6+s3], $0x2710, $0x38;
	[tilespmem:$0x1F780] =	vst v63  }
0x11: {  	_ =	swait.ge [sflag:s10], $0x2710  }
0x12: {  	[sflag:s10] =	ssyncset.done $0x0  }
0x13: {  	[sflag:s10] =	ssyncadd.s32 $0xFFFFD8F0  }
0x14: {  	[tilespmem:s11], [sflag:$0x3] =	stream.linear.gather [hbm4b:s7+s3], $0x3E80, $0x38;
	[tilespmem:$0x1F780] =	vst v63  }
0x15: {  	_ =	swait.ge [sflag:s10], $0x3E80  }
0x16: {  	[sflag:s10] =	ssyncset.done $0x0  }
0x17: {  	[sflag:s10] =	ssyncadd.s32 $0xFFFFC180  }
0x18: {  	[spmem:s13], [sflag:s12] =	dma.local [hbm:s5], $0x2800  }
0x19: {  	_ =	swait.ge [sflag:s10], $0x2800  }
0x1a: {  	[sflag:s10] =	ssyncset.done $0x0  }
0x1b: {  	[sflag:s10] =	ssyncadd.s32 $0xFFFFD800  }
0x1c: {  	[bflag:$0x0] =	sbarrier.arrive $0xFFFF  }
0x1d: {  	[tilespmem:s15], [sflag:$0x1] =	stream.indirect.gather [hbm4b:s4+s14], $0x80, s3, s14, $0xb8;
	[tilespmem:$0x1F780] =	vst v63  }
0x1e: {  	s21 =	simm.s32 $0x50  }
0x1f: {  	[tilespmem:s16], [sflag:$0x2] =	stream.indirect.gather [hbm4b:s4+s14], $0x80, s21, s14, $0xb8;
	[tilespmem:$0x1F780] =	vst v63  }
0x20: {  	_ =	swait.ge [sflag:s17], $0x2800  }
0x21: {  	[sflag:s17] =	ssyncset.done $0x0  }
0x22: {  	s29 =	simm.s32 $0x2780;
	[sflag:s17] =	ssyncadd.s32 $0xFFFFD800  }
0x23: {  	[spmem:s2] =	stream.indirect.scatter.add.f32 [tilespmem:s15], [sflag:$0x3], $0x80, s29, s14, $0xb8;
	[tilespmem:$0x1F780] =	vst v63  }
0x24: {  	_ =	swait.ge [sflag:s10], $0x2800  }
0x25: {  	[sflag:s10] =	ssyncset.done $0x0  }
0x26: {  	s30 =	simm.s32 $0xA0;
	[sflag:s10] =	ssyncadd.s32 $0xFFFFD800  }
0x27: {  	[tilespmem:s15], [sflag:$0x1] =	stream.indirect.gather [hbm4b:s4+s14], $0x80, s30, s14, $0xb8;
	[tilespmem:$0x1F780] =	vst v63  }
0x28: {  	_ =	swait.ge [sflag:s18], $0x2800  }
0x29: {  	[sflag:s18] =	ssyncset.done $0x0  }
0x2a: {  	s31 =	simm.s32 $0x2800;
	[sflag:s18] =	ssyncadd.s32 $0xFFFFD800  }
0x2b: {  	[spmem:s2] =	stream.indirect.scatter.add.f32 [tilespmem:s16], [sflag:$0x3], $0x80, s31, s14, $0xb8;
	[tilespmem:$0x1F780] =	vst v63  }
0x2c: {  	s22 =	simm.s32 $0x400;
	_ =	swait.ge [sflag:s10], $0x2800  }
0x2d: {  	s23 =	simm.s32 $0x800;
	s21 =	simm.s32 $0x140;
	[sflag:s10] =	ssyncset.done $0x0  }
.LBB2_2:
0x2e: {  	p0 =	sne.s32 s23, $0xF400;
	s24 =	sadd.s32 $0xFFFFFFB0, s21;
	[sflag:s10] =	ssyncadd.s32 $0xFFFFD800  }
0x2f: {  	[tilespmem:s16], [sflag:$0x2] =	stream.indirect.gather [hbm4b:s4+s14], $0x80, s24, s14, $0xb8;
	[tilespmem:$0x1F780] =	vst v63  }
0x30: {  	s24 =	smov.u32 s23;
	s23 =	sadd.s32 $0x400, s23;
	_ =	swait.ge [sflag:s17], $0x2800  }
0x31: {  	s25 =	sshra.s32 s22, $0x2;
	s22 =	smov.u32 s24;
	[sflag:s17] =	ssyncset.done $0x0  }
0x32: {  	s24 =	sadd.s32 $0x2780, s25;
	[sflag:s17] =	ssyncadd.s32 $0xFFFFD800  }
0x33: {  	[spmem:s2] =	stream.indirect.scatter.add.f32 [tilespmem:s15], [sflag:$0x3], $0x80, s24, s14, $0xb8;
	[tilespmem:$0x1F780] =	vst v63  }
0x34: {  	_ =	swait.ge [sflag:s10], $0x2800  }
0x35: {  	[sflag:s10] =	ssyncset.done $0x0  }
0x36: {  	[sflag:s10] =	ssyncadd.s32 $0xFFFFD800  }
0x37: {  	[tilespmem:s15], [sflag:$0x1] =	stream.indirect.gather [hbm4b:s4+s14], $0x80, s21, s14, $0xb8;
	[tilespmem:$0x1F780] =	vst v63  }
0x38: {  	_ =	swait.ge [sflag:s18], $0x2800  }
.Ltmp0:
0x39: {  	[sflag:s18] =	ssyncset.done $0x0;
	(pc) =	sbr.rel @p0 .LBB2_2-.Ltmp0, $4  }
0x3a: {  	s24 =	sadd.s32 $0x2800, s25;
	[sflag:s18] =	ssyncadd.s32 $0xFFFFD800  }
0x3b: {  	[spmem:s2] =	stream.indirect.scatter.add.f32 [tilespmem:s16], [sflag:$0x3], $0x80, s24, s14, $0xb8;
	[tilespmem:$0x1F780] =	vst v63  }
0x3c: {  	_ =	swait.ge [sflag:s10], $0x2800  }
0x3d: {  	s21 =	sadd.s32 $0xA0, s21;
	[sflag:s10] =	ssyncset.done $0x0  }
0x3e: {  	s23 =	sadd.s32 $0xFFFFFFB0, s21;
	[sflag:s10] =	ssyncadd.s32 $0xFFFFD800  }
0x3f: {  	[tilespmem:s16], [sflag:$0x2] =	stream.indirect.gather [hbm4b:s4+s14], $0x80, s23, s14, $0xb8;
	[tilespmem:$0x1F780] =	vst v63  }
0x40: {  	_ =	swait.ge [sflag:s17], $0x2800  }
0x41: {  	s22 =	sshra.s32 s22, $0x2;
	[sflag:s17] =	ssyncset.done $0x0  }
0x42: {  	s30 =	sadd.s32 $0x2780, s22;
	[sflag:s17] =	ssyncadd.s32 $0xFFFFD800  }
0x43: {  	[spmem:s2] =	stream.indirect.scatter.add.f32 [tilespmem:s15], [sflag:$0x3], $0x80, s30, s14, $0xb8;
	[tilespmem:$0x1F780] =	vst v63  }
0x44: {  	_ =	swait.ge [sflag:s10], $0x2800  }
0x45: {  	[sflag:s10] =	ssyncset.done $0x0  }
0x46: {  	[sflag:s10] =	ssyncadd.s32 $0xFFFFD800  }
0x47: {  	[tilespmem:s15], [sflag:$0x1] =	stream.indirect.gather [hbm4b:s4+s14], $0x80, s21, s14, $0xb8;
	[tilespmem:$0x1F780] =	vst v63  }
0x48: {  	_ =	swait.ge [sflag:s18], $0x2800  }
0x49: {  	[sflag:s18] =	ssyncset.done $0x0  }
0x4a: {  	s31 =	sadd.s32 $0x2800, s22;
	[sflag:s18] =	ssyncadd.s32 $0xFFFFD800  }
0x4b: {  	[spmem:s2] =	stream.indirect.scatter.add.f32 [tilespmem:s16], [sflag:$0x3], $0x80, s31, s14, $0xb8;
	[tilespmem:$0x1F780] =	vst v63  }
0x4c: {  	_ =	swait.ge [sflag:s10], $0x2800  }
0x4d: {  	[sflag:s10] =	ssyncset.done $0x0  }
0x4e: {  	[sflag:s10] =	ssyncadd.s32 $0xFFFFD800  }
0x4f: {  	_ =	swait.ge [sflag:s17], $0x2800  }
0x50: {  	[sflag:s17] =	ssyncset.done $0x0  }
0x51: {  	[sflag:s17] =	ssyncadd.s32 $0xFFFFD800  }
0x52: {  	[spmem:s2] =	stream.indirect.scatter.add.f32 [tilespmem:s15], [sflag:$0x3], $0x80, s19, s14, $0xb8;
	[tilespmem:$0x1F780] =	vst v63  }
0x53: {  	_ =	swait.ge [sflag:s10], $0x2800  }
0x54: {  	s20 =	sadd.s32 $0x1, s20;
	[sflag:s10] =	ssyncset.done $0x0  }
0x55: {  	p0 =	sne.s32 s20, s9;
	[sflag:s10] =	ssyncadd.s32 $0xFFFFD800  }
.Ltmp1:
0x56: {  	[bflag:$0x0] =	sbarrier.arrive $0xFFFF;
	(pc) =	sbr.rel @p0 .LBB2_1-.Ltmp1, $4  }
0x57: {  	[hbm:s8], [sflag:s12] =	dma.local [spmem:s13], $0x2800  }
0x58: {  	_ =	swait.ge [sflag:s10], $0x2800  }
0x59: {  	[sflag:s10] =	ssyncset.done $0x0  }
0x5a: {  	[sflag:s10] =	ssyncadd.s32 $0xFFFFD800  }
0x5b: {  	_ =	sfence.sel $0x180000  }
0x5c: {  	[bflag:$0x0] =	sbarrier.arrive $0xFFFF  }
0x5d: {  	p0 =	sne.s32 s0, $0x0;
	_ =	strace $0x9000004A  }
0x5e: {  	s0 =	sadd.s32 @!p0 $0x100000, s1;
	[bflag:$0x2] =	sbarrier.arrive $0xFFFF  }
0x5f: {  	[sflag:s0] =	ssyncadd.tile.s32 @!p0 $0x1;
	_ =	shalt  }
.Lfunc_end2:
_tile_overlayer_lowered:
.L_overlay_start_2:
0x60: {  	(tag) =	ssettag $0x2  }
0x61: {  	s0 =	rddreg [dreg:$0x0];
	s2 =	stileid.u32  }
0x62: {  	s1 =	rddreg [dreg:$0x1];
	p0 =	sne.s32 s2, $0x0  }
0x63: {  	s3 =	rddreg [dreg:$0x2];
	[bflag:$0x3] =	sbarrier.arrive $0xFFFF;
	s2 =	simm.s32 @!p0 $0x1C03  }
0x64: {  	[timem:s3], [sflag:s2] =	dma.local @!p0 [hbm:s0], s1  }
0x65: {  	s0 =	simm.s32 @!p0 $0x3  }
0x66: {  	_ =	swait.ge @!p0 [sflag:s0], s1  }
0x67: {  	s1 =	ssub.s32 @!p0 $0x0, s1;
	[sflag:s0] =	ssyncset.done @!p0 $0x0  }
0x68: {  	[sflag:s0] =	ssyncadd.s32 @!p0 s1  }
0x69: {  	[bflag:$0x3] =	sbarrier.arrive $0xFFFF  }
0x6a: {  	_ =	shalt  }

// kernel: kernel.14.cloned.1.call-start
scs
__scs_entry_jumppad:
0x0: {  	(pc) =	sbr.rel $0x88, $3  }
0x1: {  	(tag) =	ssettag $0x0;
	lr =	simm.s32 $0x1  }
0x2: {  	[smem:$0x3F98] =	sst lr;
	_ =	strace $0xD0000000  }
0x3: {  	_ = 	snop  }
0x4: {  	_ = 	snop  }
0x5: {  	_ = 	snop  }
0x6: {  	_ = 	snop  }
0x7: {  	_ = 	snop  }
__scs_overlays_trampoline_lowered:
0x8: {  	[smem:$0x3FA7] =	sst s0  }
0x9: {  	[smem:$0x3FA8] =	sst s1  }
0xa: {  	[smem:$0x3FA9] =	sst s2  }
0xb: {  	[smem:$0x3FAA] =	sst s3  }
0xc: {  	[smem:$0x3FAB] =	sst s4  }
0xd: {  	[smem:$0x3FAC] =	sst s5  }
0xe: {  	[smem:$0x3FAD] =	sst s6  }
0xf: {  	[smem:$0x3FAE] =	sst s7  }
0x10: {  	[smem:$0x3FAF] =	sst s8  }
0x11: {  	[smem:$0x3FB0] =	sst s9;
	s0 =	simm.s32 @!p0 $0x0  }
0x12: {  	s1 =	sld [smem:$0x3F96];
	s0 =	simm.s32 @p0 $0x1  }
0x13: {  	[smem:$0x3FB1] =	sst s0;
	s0 =	simm.s32 @!p1 $0x0  }
0x14: {  	s2 =	sld [smem:$0x3F95];
	s0 =	simm.s32 @p1 $0x1  }
0x15: {  	[smem:$0x3FB2] =	sst s0;
	s0 =	simm.s32 @!p2 $0x0  }
0x16: {  	s3 =	sld [smem:$0x3FDB];
	s0 =	simm.s32 @p2 $0x1  }
0x17: {  	s4 =	simm.s32 $0x1BF5;
	[smem:$0x3FB4] =	sst s0  }
0x18: {  	s0 =	sld [smem:$0x3F97];
	_ =	swait.ge [sflag:s4], $0x0  }
0x19: {  	s7 =	sld [smem:$0x3F98]  }
0x1a: {  	s8 =	sadd.s32 $0xFFFFE003, lr  }
0x1b: {  	s9 =	sadd.s32 $0xFFFFFEF7, lr;
	s5 =	simm.s32 $0xFFFFFFFF;
	p2 =	slt.u32 s8, $0xFFFFF086  }
0x1c: {  	p1 =	slt.u32 s9, $0xF7A;
	s5 =	simm.s32 @!p2 $0x0  }
0x1d: {  	s5 =	simm.s32 @p1 $0x1;
	p0 =	seq.s32 s7, s2  }
0x1e: {  	s7 =	smul.u32 @!p0 $0xF7A, s2;
	p2 =	seq.s32 @!p0 s5, $0x0  }
0x1f: {  	s9 =	smul.u32 $0xF7A, s1;
	s8 =	simm.s32 @!p0 $0x1BF5;
	p2 =	por !p2, p0  }
0x20: {  	[sflag:s8] =	ssyncset.s32 @!p0 $0xFFFFF086;
	s6 =	sadd.s32 @!p0 s3, s7;
	s7 =	simm.s32 @!p0 $0x108  }
0x21: {  	s3 =	sadd.s32 s3, s9;
	s6 =	sadd.s32 @!p0 $0x88, s6;
	s7 =	simm.s32 @p2 $0x1082  }
0x22: {  	[simem:s7], [sflag:s8] =	dma.local @!p0 [hbm:s6], $0xF7A  }
0x23: {  	s9 =	sor.u32 $0xD0000000, s2;
	s6 =	simm.s32 $0x108;
	_ =	swait.ge @!p0 [sflag:s8], $0x0  }
0x24: {  	s3 =	sadd.s32 $0x88, s3;
	s6 =	simm.s32 @!p1 $0x1082;
	[sflag:s4] =	ssyncset.s32 $0xFFFFF086  }
0x25: {  	[simem:s6], [sflag:s4] =	dma.local [hbm:s3], $0xF7A  }
0x26: {  	[smem:$0x3F98] =	sst s1;
	(tag) =	ssettag s2;
	_ =	strace s9  }
0x27: {  	s1 =	sld [smem:$0x3FA8]  }
0x28: {  	s2 =	sld [smem:$0x3FA9]  }
0x29: {  	s4 =	sld [smem:$0x3FAB]  }
0x2a: {  	p0 =	seq.s32 s5, $0x0;
	s5 =	sld [smem:$0x3FAC]  }
0x2b: {  	s6 =	sld [smem:$0x3FAD]  }
0x2c: {  	s7 =	sld [smem:$0x3FAE]  }
0x2d: {  	s3 =	simm.s32 $0x108;
	s8 =	sld [smem:$0x3FAF]  }
0x2e: {  	s3 =	simm.s32 @!p0 $0x1082;
	s9 =	sld [smem:$0x3FB0]  }
0x2f: {  	lr =	sadd.s32 s0, s3;
	s0 =	sld [smem:$0x3FA7]  }
0x30: {  	s3 =	sld [smem:$0x3FAA]  }
0x31: {  	[smem:$0x3FB3] =	sst s10  }
0x32: {  	s10 =	sld [smem:$0x3FB1];
	_ =	sdelay $0x3  }
0x33: {  	p0 =	seq.s32 s10, $0x1;
	s10 =	sld [smem:$0x3FB3];
	_ =	sdelay $0x3  }
0x34: {  	[smem:$0x3FB3] =	sst s10  }
0x35: {  	s10 =	sld [smem:$0x3FB2];
	_ =	sdelay $0x3  }
0x36: {  	p1 =	seq.s32 s10, $0x1;
	s10 =	sld [smem:$0x3FB3];
	_ =	sdelay $0x3  }
0x37: {  	[smem:$0x3FB3] =	sst s10  }
0x38: {  	s10 =	sld [smem:$0x3FB4]  }
0x39: {  	_ = 	snop;
	(pc) =	sbr.ind lr, $3  }
0x3a: {  	_ = 	snop  }
0x3b: {  	_ = 	snop  }
0x3c: {  	p2 =	seq.s32 s10, $0x1;
	s10 =	sld [smem:$0x3FB3]  }
0x3d: {  	_ =	shalt  }
0x3e: {  	_ =	shalt  }
0x3f: {  	_ =	shalt  }
0x40: {  	_ =	shalt  }
0x41: {  	_ =	shalt  }
0x42: {  	_ =	shalt  }
0x43: {  	_ =	shalt  }
0x44: {  	_ =	shalt  }
0x45: {  	_ =	shalt  }
0x46: {  	_ =	shalt  }
0x47: {  	_ =	shalt  }
0x48: {  	_ =	shalt  }
0x49: {  	_ =	shalt  }
0x4a: {  	_ =	shalt  }
0x4b: {  	_ =	shalt  }
0x4c: {  	_ =	shalt  }
0x4d: {  	_ =	shalt  }
0x4e: {  	_ =	shalt  }
0x4f: {  	_ =	shalt  }
0x50: {  	_ =	shalt  }
0x51: {  	_ =	shalt  }
0x52: {  	_ =	shalt  }
0x53: {  	_ =	shalt  }
0x54: {  	_ =	shalt  }
0x55: {  	_ =	shalt  }
0x56: {  	_ =	shalt  }
0x57: {  	_ =	shalt  }
0x58: {  	_ =	shalt  }
0x59: {  	_ =	shalt  }
0x5a: {  	_ =	shalt  }
0x5b: {  	_ =	shalt  }
0x5c: {  	_ =	shalt  }
0x5d: {  	_ =	shalt  }
0x5e: {  	_ =	shalt  }
0x5f: {  	_ =	shalt  }
0x60: {  	_ =	shalt  }
0x61: {  	_ =	shalt  }
0x62: {  	_ =	shalt  }
0x63: {  	_ =	shalt  }
0x64: {  	_ =	shalt  }
0x65: {  	_ =	shalt  }
0x66: {  	_ =	shalt  }
0x67: {  	_ =	shalt  }
0x68: {  	_ =	shalt  }
0x69: {  	_ =	shalt  }
0x6a: {  	_ =	shalt  }
0x6b: {  	_ =	shalt  }
0x6c: {  	_ =	shalt  }
0x6d: {  	_ =	shalt  }
0x6e: {  	_ =	shalt  }
0x6f: {  	_ =	shalt  }
0x70: {  	_ =	shalt  }
0x71: {  	_ =	shalt  }
0x72: {  	_ =	shalt  }
0x73: {  	_ =	shalt  }
0x74: {  	_ =	shalt  }
0x75: {  	_ =	shalt  }
0x76: {  	_ =	shalt  }
0x77: {  	_ =	shalt  }
0x78: {  	_ =	shalt  }
0x79: {  	_ =	shalt  }
0x7a: {  	_ =	shalt  }
0x7b: {  	_ =	shalt  }
0x7c: {  	_ =	shalt  }
0x7d: {  	_ =	shalt  }
0x7e: {  	_ =	shalt  }
0x7f: {  	_ =	shalt  }
0x80: {  	_ =	shalt  }
0x81: {  	_ =	shalt  }
0x82: {  	_ =	shalt  }
0x83: {  	_ =	shalt  }
0x84: {  	_ =	shalt  }
0x85: {  	_ =	shalt  }
0x86: {  	_ =	shalt  }
0x87: {  	_ =	shalt  }
.Lfunc_end0:
.L_simem_size_0:
called_computation.2_lowered:
.L_overlay_start_0:
0x88: {  	s2 =	sld [smem:$0x3FD9]  }
0x89: {  	s3 =	sld [smem:$0x3FFE];
	_ =	sdelay $0x1  }
0x8a: {  	s1 =	srdreg.scid  }
0x8b: {  	s0 =	sand.u32 $0x1, s1  }
0x8c: {  	s16 =	sshll.u32 s0, $0xA;
	s2 =	sadd.s32 s3, s2  }
0x8d: {  	s2 =	sadd.s32 s2, s16  }
0x8e: {  	[smem:$0x3FBF] =	sst s2  }
0x8f: {  	_ = 	snop  }
0x90: {  	(tm) =	ssettm $0x1  }
0x91: {  	s17 =	sld [smem:$0x3FFB];
	_ =	sdelay $0x3  }
0x92: {  	_ =	strace s17  }
0x93: {  	s2 =	sld [smem:$0x3FFC];
	_ =	sdelay $0x3  }
0x94: {  	_ =	strace s2  }
0x95: {  	s2 =	sld [smem:$0x3FFD];
	_ =	sdelay $0x3  }
0x96: {  	_ =	strace s2  }
0x97: {  	_ =	strace $0x8FFFFFFF  }
0x98: {  	s18 =	sld [smem:$0x3FDB];
	_ =	sdelay $0x1  }
0x99: {  	s19 =	simm.s32 $_scs_section_size  }
0x9a: {  	s4 =	simm.s32 $_size__tile_overlayer_lowered;
	s5 =	simm.s32 $_tile_overlayer_lowered  }
0x9b: {  	s22 =	simm.s32 $0x1BFF;
	s21 =	sshll.u32 s5, $0x1;
	s2 =	sadd.s32 s19, s18  }
0x9c: {  	s6 =	simm.s32 $0x0;
	s20 =	sshll.u32 s4, $0x1;
	s4 =	sadd.s32 s21, s2  }
0x9d: {  	[timem:s6], [sflag:s22] =	dma.local [hbm:s4], s20  }
0x9e: {  	_ =	swait.ge [sflag:s22], s20  }
0x9f: {  	s3 =	ssub.s32 $0x0, s20;
	[sflag:s22] =	ssyncset.done $0x0  }
0xa0: {  	[sflag:s22] =	ssyncadd.s32 s3;
	_ =	sdelay $0x1  }
0xa1: {  	s23 =	simm.s32 $0x1B8B  }
0xa2: {  	_ =	swait.ge [sflag:s23], $0x1  }
0xa3: {  	[sflag:s23] =	ssyncset.done $0x0  }
0xa4: {  	s25 =	simm.s32 $0x1B8E;
	s24 =	sld [smem:$0x3FFE];
	[sflag:s23] =	ssyncadd.s32 $0xFFFFFFFF  }
0xa5: {  	s26 =	simm.s32 $execute0_lowered;
	[smem:$0x3FD2] =	sst s25  }
0xa6: {  	s4 =	sshll.u32 s26, $0x1;
	_ =	strace $0x8000004C;
	[dreg:$0x1] =	wrdreg $0xFFFFFFFF  }
0xa7: {  	s28 =	simm.s32 $_size_execute0_lowered;
	s2 =	sadd.s32 s2, s4;
	[dreg:$0x0] =	wrdreg $0x0  }
0xa8: {  	s4 =	sshll.u32 s28, $0x1;
	[dreg:$0x2] =	wrdreg s2  }
0xa9: {  	[dreg:$0x3] =	wrdreg s4  }
0xaa: {  	[dreg:$0x4] =	wrdreg $0xC0  }
0xab: {  	_ =	task [dreg:s6], $0x5FFFF  }
0xac: {  	[dreg:$0x1] =	wrdreg $0xFFFFFFFF  }
0xad: {  	[dreg:$0x0] =	wrdreg $0x60  }
0xae: {  	[dreg:$0x2] =	wrdreg s24  }
0xaf: {  	[dreg:$0x3] =	wrdreg $0xB7800  }
0xb0: {  	[dreg:$0x4] =	wrdreg $0x9  }
0xb1: {  	_ =	task.clear_ibuf [dreg:s6], $0x5FFFF;
	_ =	strace $0x9000004C  }
0xb2: {  	s29 =	simm.s32 $0x9;
	_ =	strace $0x8000004E  }
0xb3: {  	_ =	swait.ge [sflag:s29], $0x1  }
0xb4: {  	[sflag:s29] =	ssyncadd.s32 $0xFFFFFFFF  }
0xb5: {  	_ =	strace $0x9000004E  }
0xb6: {  	_ =	sfence  }
0xb7: {  	s30 =	sld [smem:$0x0];
	_ =	sdelay $0x2  }
0xb8: {  	s31 =	sshll.u32 s1, $0xD;
	s1 =	sshrl.u32 s1, $0x2  }
0xb9: {  	s3 =	sand.u32 $0x4000, s31;
	s1 =	sadd.s32 s1, s30  }
0xba: {  	s0 =	sor.u32 s3, s0;
	s1 =	sshll.u32 s1, $0x11  }
0xbb: {  	s0 =	sor.u32 s1, s0  }
0xbc: {  	s0 =	sadd.s32 $0x8F2B, s0  }
0xbd: {  	[sflag:s0] =	ssyncadd.remote.s32 $0x1  }
0xbe: {  	_ =	sfence.sel $0xFFFF  }
0xbf: {  	[dreg:$0x0] =	wrdreg $0xFFFFFFFF;
	(pc) =	sbr.abs _section_cstart, $3  }
0xc0: {  	[dreg:$0x1] =	wrdreg $0xFFFFFFFF  }
0xc1: {  	_ =	task.clear_ibuf [dreg:s6], $0x2FFFF;
	_ =	strace $0x9FFFFFFF  }
0xc2: {  	(tm) =	ssettm $0x7FFFFFFF  }
0xc3: {  	_ =	shalt  }
tec
execute0_lowered:
.L_overlay_start_1:
0x0: {  	(tag) =	ssettag $0x1  }
0x1: {  	s6 =	rddreg [dreg:$0x0];
	s1 =	srdreg.scid  }
0x2: {  	s0 =	stileid.u32;
	s2 =	rddreg [dreg:$0x1]  }
0x3: {  	s3 =	simm.s32 $0x0;
	s14 =	simm.s32 $0x50;
	s15 =	simm.s32 $0x6780  }
0x4: {  	s16 =	simm.s32 $0x8F80;
	s17 =	simm.s32 $0x1;
	s18 =	simm.s32 $0x2  }
0x5: {  	s19 =	simm.s32 $0x6580;
	s20 =	simm.s32 $0x0;
	s5 =	sand.u32 $0x1, s1  }
0x6: {  	s4 =	sshll.u32 s0, $0x1;
	s1 =	rddreg [dreg:$0x2];
	s9 =	smul.u32 $0x2800, s0  }
0x7: {  	[smem:$0x7FF] =	sst s3;
	s12 =	smul.u32 $0x50000, s0;
	s31 =	sshll.u32 s0, $0x6  }
0x8: {  	s7 =	sor.u32 s5, s4;
	_ =	strace $0x8000004D;
	s4 =	sadd.s32 $0x30800, s6  }
0x9: {  	s10 =	smul.u32 $0x28000, s5;
	s11 =	ssub.s32 $0x2, s5;
	s5 =	sadd.s32 $0x2600, s6  }
0xa: {  	s8 =	smul.u32 $0x4E2, s7;
	s7 =	sshll.u32 s7, $0xB;
	s29 =	sshrl.u32 s11, $0x1  }
0xb: {  	s30 =	sshrl.u32 s12, $0x2;
	s12 =	sor.u32 $0x1C03, s31;
	s7 =	sadd.s32 s7, s6  }
0xc: {  	s9 =	sadd.s32 s9, s10;
	s10 =	ssub.s32 s11, s29;
	s13 =	sadd.s32 s30, s2  }
0xd: {  	s11 =	simm.s32 $0x2780;
	s8 =	sadd.s32 s8, s6;
	s9 =	sadd.s32 s9, s6  }
0xe: {  	s7 =	sadd.s32 $0x20800, s7;
	s13 =	sshrl.u32 s13, $0x3;
	s6 =	sadd.s32 $0xC400, s8  }
0xf: {  	s8 =	sadd.s32 $0x57A00, s9;
	s9 =	smax.u32 s10, $0x1;
	s10 =	simm.s32 $0x3  }
.LBB2_1:
0x10: {  	[tilespmem:s3], [sflag:$0x3] =	stream.linear.gather [hbm4b:s6+s3], $0x2710, $0x38;
	[tilespmem:$0x1F780] =	vst v63  }
0x11: {  	_ =	swait.ge [sflag:s10], $0x2710  }
0x12: {  	[sflag:s10] =	ssyncset.done $0x0  }
0x13: {  	[sflag:s10] =	ssyncadd.s32 $0xFFFFD8F0  }
0x14: {  	[tilespmem:s11], [sflag:$0x3] =	stream.linear.gather [hbm4b:s7+s3], $0x3E80, $0x38;
	[tilespmem:$0x1F780] =	vst v63  }
0x15: {  	_ =	swait.ge [sflag:s10], $0x3E80  }
0x16: {  	[sflag:s10] =	ssyncset.done $0x0  }
0x17: {  	[sflag:s10] =	ssyncadd.s32 $0xFFFFC180  }
0x18: {  	[spmem:s13], [sflag:s12] =	dma.local [hbm:s5], $0x2800  }
0x19: {  	_ =	swait.ge [sflag:s10], $0x2800  }
0x1a: {  	[sflag:s10] =	ssyncset.done $0x0  }
0x1b: {  	[sflag:s10] =	ssyncadd.s32 $0xFFFFD800  }
0x1c: {  	[bflag:$0x0] =	sbarrier.arrive $0xFFFF  }
0x1d: {  	[tilespmem:s15], [sflag:$0x1] =	stream.indirect.gather [hbm4b:s4+s14], $0x80, s3, s14, $0xb8;
	[tilespmem:$0x1F780] =	vst v63  }
0x1e: {  	s21 =	simm.s32 $0x50  }
0x1f: {  	[tilespmem:s16], [sflag:$0x2] =	stream.indirect.gather [hbm4b:s4+s14], $0x80, s21, s14, $0xb8;
	[tilespmem:$0x1F780] =	vst v63  }
0x20: {  	_ =	swait.ge [sflag:s17], $0x2800  }
0x21: {  	[sflag:s17] =	ssyncset.done $0x0  }
0x22: {  	s29 =	simm.s32 $0x2780;
	[sflag:s17] =	ssyncadd.s32 $0xFFFFD800  }
0x23: {  	[spmem:s2] =	stream.indirect.scatter.add.f32 [tilespmem:s15], [sflag:$0x3], $0x80, s29, s14, $0xb8;
	[tilespmem:$0x1F780] =	vst v63  }
0x24: {  	_ =	swait.ge [sflag:s10], $0x2800  }
0x25: {  	[sflag:s10] =	ssyncset.done $0x0  }
0x26: {  	s30 =	simm.s32 $0xA0;
	[sflag:s10] =	ssyncadd.s32 $0xFFFFD800  }
0x27: {  	[tilespmem:s15], [sflag:$0x1] =	stream.indirect.gather [hbm4b:s4+s14], $0x80, s30, s14, $0xb8;
	[tilespmem:$0x1F780] =	vst v63  }
0x28: {  	_ =	swait.ge [sflag:s18], $0x2800  }
0x29: {  	[sflag:s18] =	ssyncset.done $0x0  }
0x2a: {  	s31 =	simm.s32 $0x2800;
	[sflag:s18] =	ssyncadd.s32 $0xFFFFD800  }
0x2b: {  	[spmem:s2] =	stream.indirect.scatter.add.f32 [tilespmem:s16], [sflag:$0x3], $0x80, s31, s14, $0xb8;
	[tilespmem:$0x1F780] =	vst v63  }
0x2c: {  	s22 =	simm.s32 $0x400;
	_ =	swait.ge [sflag:s10], $0x2800  }
0x2d: {  	s23 =	simm.s32 $0x800;
	s21 =	simm.s32 $0x140;
	[sflag:s10] =	ssyncset.done $0x0  }
.LBB2_2:
0x2e: {  	p0 =	sne.s32 s23, $0xF400;
	s24 =	sadd.s32 $0xFFFFFFB0, s21;
	[sflag:s10] =	ssyncadd.s32 $0xFFFFD800  }
0x2f: {  	[tilespmem:s16], [sflag:$0x2] =	stream.indirect.gather [hbm4b:s4+s14], $0x80, s24, s14, $0xb8;
	[tilespmem:$0x1F780] =	vst v63  }
0x30: {  	s24 =	smov.u32 s23;
	s23 =	sadd.s32 $0x400, s23;
	_ =	swait.ge [sflag:s17], $0x2800  }
0x31: {  	s25 =	sshra.s32 s22, $0x2;
	s22 =	smov.u32 s24;
	[sflag:s17] =	ssyncset.done $0x0  }
0x32: {  	s24 =	sadd.s32 $0x2780, s25;
	[sflag:s17] =	ssyncadd.s32 $0xFFFFD800  }
0x33: {  	[spmem:s2] =	stream.indirect.scatter.add.f32 [tilespmem:s15], [sflag:$0x3], $0x80, s24, s14, $0xb8;
	[tilespmem:$0x1F780] =	vst v63  }
0x34: {  	_ =	swait.ge [sflag:s10], $0x2800  }
0x35: {  	[sflag:s10] =	ssyncset.done $0x0  }
0x36: {  	[sflag:s10] =	ssyncadd.s32 $0xFFFFD800  }
0x37: {  	[tilespmem:s15], [sflag:$0x1] =	stream.indirect.gather [hbm4b:s4+s14], $0x80, s21, s14, $0xb8;
	[tilespmem:$0x1F780] =	vst v63  }
0x38: {  	_ =	swait.ge [sflag:s18], $0x2800  }
.Ltmp0:
0x39: {  	[sflag:s18] =	ssyncset.done $0x0;
	(pc) =	sbr.rel @p0 .LBB2_2-.Ltmp0, $4  }
0x3a: {  	s24 =	sadd.s32 $0x2800, s25;
	[sflag:s18] =	ssyncadd.s32 $0xFFFFD800  }
0x3b: {  	[spmem:s2] =	stream.indirect.scatter.add.f32 [tilespmem:s16], [sflag:$0x3], $0x80, s24, s14, $0xb8;
	[tilespmem:$0x1F780] =	vst v63  }
0x3c: {  	_ =	swait.ge [sflag:s10], $0x2800  }
0x3d: {  	s21 =	sadd.s32 $0xA0, s21;
	[sflag:s10] =	ssyncset.done $0x0  }
0x3e: {  	s23 =	sadd.s32 $0xFFFFFFB0, s21;
	[sflag:s10] =	ssyncadd.s32 $0xFFFFD800  }
0x3f: {  	[tilespmem:s16], [sflag:$0x2] =	stream.indirect.gather [hbm4b:s4+s14], $0x80, s23, s14, $0xb8;
	[tilespmem:$0x1F780] =	vst v63  }
0x40: {  	_ =	swait.ge [sflag:s17], $0x2800  }
0x41: {  	s22 =	sshra.s32 s22, $0x2;
	[sflag:s17] =	ssyncset.done $0x0  }
0x42: {  	s30 =	sadd.s32 $0x2780, s22;
	[sflag:s17] =	ssyncadd.s32 $0xFFFFD800  }
0x43: {  	[spmem:s2] =	stream.indirect.scatter.add.f32 [tilespmem:s15], [sflag:$0x3], $0x80, s30, s14, $0xb8;
	[tilespmem:$0x1F780] =	vst v63  }
0x44: {  	_ =	swait.ge [sflag:s10], $0x2800  }
0x45: {  	[sflag:s10] =	ssyncset.done $0x0  }
0x46: {  	[sflag:s10] =	ssyncadd.s32 $0xFFFFD800  }
0x47: {  	[tilespmem:s15], [sflag:$0x1] =	stream.indirect.gather [hbm4b:s4+s14], $0x80, s21, s14, $0xb8;
	[tilespmem:$0x1F780] =	vst v63  }
0x48: {  	_ =	swait.ge [sflag:s18], $0x2800  }
0x49: {  	[sflag:s18] =	ssyncset.done $0x0  }
0x4a: {  	s31 =	sadd.s32 $0x2800, s22;
	[sflag:s18] =	ssyncadd.s32 $0xFFFFD800  }
0x4b: {  	[spmem:s2] =	stream.indirect.scatter.add.f32 [tilespmem:s16], [sflag:$0x3], $0x80, s31, s14, $0xb8;
	[tilespmem:$0x1F780] =	vst v63  }
0x4c: {  	_ =	swait.ge [sflag:s10], $0x2800  }
0x4d: {  	[sflag:s10] =	ssyncset.done $0x0  }
0x4e: {  	[sflag:s10] =	ssyncadd.s32 $0xFFFFD800  }
0x4f: {  	_ =	swait.ge [sflag:s17], $0x2800  }
0x50: {  	[sflag:s17] =	ssyncset.done $0x0  }
0x51: {  	[sflag:s17] =	ssyncadd.s32 $0xFFFFD800  }
0x52: {  	[spmem:s2] =	stream.indirect.scatter.add.f32 [tilespmem:s15], [sflag:$0x3], $0x80, s19, s14, $0xb8;
	[tilespmem:$0x1F780] =	vst v63  }
0x53: {  	_ =	swait.ge [sflag:s10], $0x2800  }
0x54: {  	s20 =	sadd.s32 $0x1, s20;
	[sflag:s10] =	ssyncset.done $0x0  }
0x55: {  	p0 =	sne.s32 s20, s9;
	[sflag:s10] =	ssyncadd.s32 $0xFFFFD800  }
.Ltmp1:
0x56: {  	[bflag:$0x0] =	sbarrier.arrive $0xFFFF;
	(pc) =	sbr.rel @p0 .LBB2_1-.Ltmp1, $4  }
0x57: {  	[hbm:s8], [sflag:s12] =	dma.local [spmem:s13], $0x2800  }
0x58: {  	_ =	swait.ge [sflag:s10], $0x2800  }
0x59: {  	[sflag:s10] =	ssyncset.done $0x0  }
0x5a: {  	[sflag:s10] =	ssyncadd.s32 $0xFFFFD800  }
0x5b: {  	_ =	sfence.sel $0x180000  }
0x5c: {  	[bflag:$0x0] =	sbarrier.arrive $0xFFFF  }
0x5d: {  	p0 =	sne.s32 s0, $0x0;
	_ =	strace $0x9000004D  }
0x5e: {  	s0 =	sadd.s32 @!p0 $0x100000, s1;
	[bflag:$0x2] =	sbarrier.arrive $0xFFFF  }
0x5f: {  	[sflag:s0] =	ssyncadd.tile.s32 @!p0 $0x1;
	_ =	shalt  }
.Lfunc_end2:
_tile_overlayer_lowered:
.L_overlay_start_2:
0x60: {  	(tag) =	ssettag $0x2  }
0x61: {  	s0 =	rddreg [dreg:$0x0];
	s2 =	stileid.u32  }
0x62: {  	s1 =	rddreg [dreg:$0x1];
	p0 =	sne.s32 s2, $0x0  }
0x63: {  	s3 =	rddreg [dreg:$0x2];
	[bflag:$0x3] =	sbarrier.arrive $0xFFFF;
	s2 =	simm.s32 @!p0 $0x1C03  }
0x64: {  	[timem:s3], [sflag:s2] =	dma.local @!p0 [hbm:s0], s1  }
0x65: {  	s0 =	simm.s32 @!p0 $0x3  }
0x66: {  	_ =	swait.ge @!p0 [sflag:s0], s1  }
0x67: {  	s1 =	ssub.s32 @!p0 $0x0, s1;
	[sflag:s0] =	ssyncset.done @!p0 $0x0  }
0x68: {  	[sflag:s0] =	ssyncadd.s32 @!p0 s1  }
0x69: {  	[bflag:$0x3] =	sbarrier.arrive $0xFFFF  }
0x6a: {  	_ =	shalt  }

// kernel: kernel.8.cloned.1.call-start
scs
__scs_entry_jumppad:
0x0: {  	(pc) =	sbr.rel $0x88, $3  }
0x1: {  	(tag) =	ssettag $0x0;
	lr =	simm.s32 $0x1  }
0x2: {  	[smem:$0x3F98] =	sst lr;
	_ =	strace $0xD0000000  }
0x3: {  	_ = 	snop  }
0x4: {  	_ = 	snop  }
0x5: {  	_ = 	snop  }
0x6: {  	_ = 	snop  }
0x7: {  	_ = 	snop  }
__scs_overlays_trampoline_lowered:
0x8: {  	[smem:$0x3FA7] =	sst s0  }
0x9: {  	[smem:$0x3FA8] =	sst s1  }
0xa: {  	[smem:$0x3FA9] =	sst s2  }
0xb: {  	[smem:$0x3FAA] =	sst s3  }
0xc: {  	[smem:$0x3FAB] =	sst s4  }
0xd: {  	[smem:$0x3FAC] =	sst s5  }
0xe: {  	[smem:$0x3FAD] =	sst s6  }
0xf: {  	[smem:$0x3FAE] =	sst s7  }
0x10: {  	[smem:$0x3FAF] =	sst s8  }
0x11: {  	[smem:$0x3FB0] =	sst s9;
	s0 =	simm.s32 @!p0 $0x0  }
0x12: {  	s1 =	sld [smem:$0x3F96];
	s0 =	simm.s32 @p0 $0x1  }
0x13: {  	[smem:$0x3FB1] =	sst s0;
	s0 =	simm.s32 @!p1 $0x0  }
0x14: {  	s2 =	sld [smem:$0x3F95];
	s0 =	simm.s32 @p1 $0x1  }
0x15: {  	[smem:$0x3FB2] =	sst s0;
	s0 =	simm.s32 @!p2 $0x0  }
0x16: {  	s3 =	sld [smem:$0x3FDB];
	s0 =	simm.s32 @p2 $0x1  }
0x17: {  	s4 =	simm.s32 $0x1BF5;
	[smem:$0x3FB4] =	sst s0  }
0x18: {  	s0 =	sld [smem:$0x3F97];
	_ =	swait.ge [sflag:s4], $0x0  }
0x19: {  	s7 =	sld [smem:$0x3F98]  }
0x1a: {  	s8 =	sadd.s32 $0xFFFFE003, lr  }
0x1b: {  	s9 =	sadd.s32 $0xFFFFFEF7, lr;
	s5 =	simm.s32 $0xFFFFFFFF;
	p2 =	slt.u32 s8, $0xFFFFF086  }
0x1c: {  	p1 =	slt.u32 s9, $0xF7A;
	s5 =	simm.s32 @!p2 $0x0  }
0x1d: {  	s5 =	simm.s32 @p1 $0x1;
	p0 =	seq.s32 s7, s2  }
0x1e: {  	s7 =	smul.u32 @!p0 $0xF7A, s2;
	p2 =	seq.s32 @!p0 s5, $0x0  }
0x1f: {  	s9 =	smul.u32 $0xF7A, s1;
	s8 =	simm.s32 @!p0 $0x1BF5;
	p2 =	por !p2, p0  }
0x20: {  	[sflag:s8] =	ssyncset.s32 @!p0 $0xFFFFF086;
	s6 =	sadd.s32 @!p0 s3, s7;
	s7 =	simm.s32 @!p0 $0x108  }
0x21: {  	s3 =	sadd.s32 s3, s9;
	s6 =	sadd.s32 @!p0 $0x88, s6;
	s7 =	simm.s32 @p2 $0x1082  }
0x22: {  	[simem:s7], [sflag:s8] =	dma.local @!p0 [hbm:s6], $0xF7A  }
0x23: {  	s9 =	sor.u32 $0xD0000000, s2;
	s6 =	simm.s32 $0x108;
	_ =	swait.ge @!p0 [sflag:s8], $0x0  }
0x24: {  	s3 =	sadd.s32 $0x88, s3;
	s6 =	simm.s32 @!p1 $0x1082;
	[sflag:s4] =	ssyncset.s32 $0xFFFFF086  }
0x25: {  	[simem:s6], [sflag:s4] =	dma.local [hbm:s3], $0xF7A  }
0x26: {  	[smem:$0x3F98] =	sst s1;
	(tag) =	ssettag s2;
	_ =	strace s9  }
0x27: {  	s1 =	sld [smem:$0x3FA8]  }
0x28: {  	s2 =	sld [smem:$0x3FA9]  }
0x29: {  	s4 =	sld [smem:$0x3FAB]  }
0x2a: {  	p0 =	seq.s32 s5, $0x0;
	s5 =	sld [smem:$0x3FAC]  }
0x2b: {  	s6 =	sld [smem:$0x3FAD]  }
0x2c: {  	s7 =	sld [smem:$0x3FAE]  }
0x2d: {  	s3 =	simm.s32 $0x108;
	s8 =	sld [smem:$0x3FAF]  }
0x2e: {  	s3 =	simm.s32 @!p0 $0x1082;
	s9 =	sld [smem:$0x3FB0]  }
0x2f: {  	lr =	sadd.s32 s0, s3;
	s0 =	sld [smem:$0x3FA7]  }
0x30: {  	s3 =	sld [smem:$0x3FAA]  }
0x31: {  	[smem:$0x3FB3] =	sst s10  }
0x32: {  	s10 =	sld [smem:$0x3FB1];
	_ =	sdelay $0x3  }
0x33: {  	p0 =	seq.s32 s10, $0x1;
	s10 =	sld [smem:$0x3FB3];
	_ =	sdelay $0x3  }
0x34: {  	[smem:$0x3FB3] =	sst s10  }
0x35: {  	s10 =	sld [smem:$0x3FB2];
	_ =	sdelay $0x3  }
0x36: {  	p1 =	seq.s32 s10, $0x1;
	s10 =	sld [smem:$0x3FB3];
	_ =	sdelay $0x3  }
0x37: {  	[smem:$0x3FB3] =	sst s10  }
0x38: {  	s10 =	sld [smem:$0x3FB4]  }
0x39: {  	_ = 	snop;
	(pc) =	sbr.ind lr, $3  }
0x3a: {  	_ = 	snop  }
0x3b: {  	_ = 	snop  }
0x3c: {  	p2 =	seq.s32 s10, $0x1;
	s10 =	sld [smem:$0x3FB3]  }
0x3d: {  	_ =	shalt  }
0x3e: {  	_ =	shalt  }
0x3f: {  	_ =	shalt  }
0x40: {  	_ =	shalt  }
0x41: {  	_ =	shalt  }
0x42: {  	_ =	shalt  }
0x43: {  	_ =	shalt  }
0x44: {  	_ =	shalt  }
0x45: {  	_ =	shalt  }
0x46: {  	_ =	shalt  }
0x47: {  	_ =	shalt  }
0x48: {  	_ =	shalt  }
0x49: {  	_ =	shalt  }
0x4a: {  	_ =	shalt  }
0x4b: {  	_ =	shalt  }
0x4c: {  	_ =	shalt  }
0x4d: {  	_ =	shalt  }
0x4e: {  	_ =	shalt  }
0x4f: {  	_ =	shalt  }
0x50: {  	_ =	shalt  }
0x51: {  	_ =	shalt  }
0x52: {  	_ =	shalt  }
0x53: {  	_ =	shalt  }
0x54: {  	_ =	shalt  }
0x55: {  	_ =	shalt  }
0x56: {  	_ =	shalt  }
0x57: {  	_ =	shalt  }
0x58: {  	_ =	shalt  }
0x59: {  	_ =	shalt  }
0x5a: {  	_ =	shalt  }
0x5b: {  	_ =	shalt  }
0x5c: {  	_ =	shalt  }
0x5d: {  	_ =	shalt  }
0x5e: {  	_ =	shalt  }
0x5f: {  	_ =	shalt  }
0x60: {  	_ =	shalt  }
0x61: {  	_ =	shalt  }
0x62: {  	_ =	shalt  }
0x63: {  	_ =	shalt  }
0x64: {  	_ =	shalt  }
0x65: {  	_ =	shalt  }
0x66: {  	_ =	shalt  }
0x67: {  	_ =	shalt  }
0x68: {  	_ =	shalt  }
0x69: {  	_ =	shalt  }
0x6a: {  	_ =	shalt  }
0x6b: {  	_ =	shalt  }
0x6c: {  	_ =	shalt  }
0x6d: {  	_ =	shalt  }
0x6e: {  	_ =	shalt  }
0x6f: {  	_ =	shalt  }
0x70: {  	_ =	shalt  }
0x71: {  	_ =	shalt  }
0x72: {  	_ =	shalt  }
0x73: {  	_ =	shalt  }
0x74: {  	_ =	shalt  }
0x75: {  	_ =	shalt  }
0x76: {  	_ =	shalt  }
0x77: {  	_ =	shalt  }
0x78: {  	_ =	shalt  }
0x79: {  	_ =	shalt  }
0x7a: {  	_ =	shalt  }
0x7b: {  	_ =	shalt  }
0x7c: {  	_ =	shalt  }
0x7d: {  	_ =	shalt  }
0x7e: {  	_ =	shalt  }
0x7f: {  	_ =	shalt  }
0x80: {  	_ =	shalt  }
0x81: {  	_ =	shalt  }
0x82: {  	_ =	shalt  }
0x83: {  	_ =	shalt  }
0x84: {  	_ =	shalt  }
0x85: {  	_ =	shalt  }
0x86: {  	_ =	shalt  }
0x87: {  	_ =	shalt  }
.Lfunc_end0:
.L_simem_size_0:
called_computation_lowered:
.L_overlay_start_0:
0x88: {  	s2 =	sld [smem:$0x3FD9]  }
0x89: {  	s3 =	sld [smem:$0x3FFE];
	_ =	sdelay $0x1  }
0x8a: {  	s1 =	srdreg.scid  }
0x8b: {  	s0 =	sand.u32 $0x1, s1  }
0x8c: {  	s16 =	sshll.u32 s0, $0xA;
	s2 =	sadd.s32 s3, s2  }
0x8d: {  	s2 =	sadd.s32 s2, s16  }
0x8e: {  	[smem:$0x3FBF] =	sst s2  }
0x8f: {  	_ = 	snop  }
0x90: {  	(tm) =	ssettm $0x1  }
0x91: {  	s17 =	sld [smem:$0x3FFB];
	_ =	sdelay $0x3  }
0x92: {  	_ =	strace s17  }
0x93: {  	s2 =	sld [smem:$0x3FFC];
	_ =	sdelay $0x3  }
0x94: {  	_ =	strace s2  }
0x95: {  	s2 =	sld [smem:$0x3FFD];
	_ =	sdelay $0x3  }
0x96: {  	_ =	strace s2  }
0x97: {  	_ =	strace $0x8FFFFFFF  }
0x98: {  	s18 =	sld [smem:$0x3FDB];
	_ =	sdelay $0x1  }
0x99: {  	s19 =	simm.s32 $_scs_section_size  }
0x9a: {  	s4 =	simm.s32 $_size__tile_overlayer_lowered;
	s5 =	simm.s32 $_tile_overlayer_lowered  }
0x9b: {  	s22 =	simm.s32 $0x1BFF;
	s21 =	sshll.u32 s5, $0x1;
	s2 =	sadd.s32 s19, s18  }
0x9c: {  	s6 =	simm.s32 $0x0;
	s20 =	sshll.u32 s4, $0x1;
	s4 =	sadd.s32 s21, s2  }
0x9d: {  	[timem:s6], [sflag:s22] =	dma.local [hbm:s4], s20  }
0x9e: {  	_ =	swait.ge [sflag:s22], s20  }
0x9f: {  	s3 =	ssub.s32 $0x0, s20;
	[sflag:s22] =	ssyncset.done $0x0  }
0xa0: {  	[sflag:s22] =	ssyncadd.s32 s3;
	_ =	sdelay $0x1  }
0xa1: {  	s23 =	simm.s32 $0x1B8B  }
0xa2: {  	_ =	swait.ge [sflag:s23], $0x1  }
0xa3: {  	[sflag:s23] =	ssyncset.done $0x0  }
0xa4: {  	s25 =	simm.s32 $0x1B8E;
	s24 =	sld [smem:$0x3FFE];
	[sflag:s23] =	ssyncadd.s32 $0xFFFFFFFF  }
0xa5: {  	s26 =	simm.s32 $execute0_lowered;
	[smem:$0x3FD2] =	sst s25  }
0xa6: {  	s4 =	sshll.u32 s26, $0x1;
	_ =	strace $0x80000046;
	[dreg:$0x1] =	wrdreg $0xFFFFFFFF  }
0xa7: {  	s28 =	simm.s32 $_size_execute0_lowered;
	s2 =	sadd.s32 s2, s4;
	[dreg:$0x0] =	wrdreg $0x0  }
0xa8: {  	s4 =	sshll.u32 s28, $0x1;
	[dreg:$0x2] =	wrdreg s2  }
0xa9: {  	[dreg:$0x3] =	wrdreg s4  }
0xaa: {  	[dreg:$0x4] =	wrdreg $0xC0  }
0xab: {  	_ =	task [dreg:s6], $0x5FFFF  }
0xac: {  	[dreg:$0x1] =	wrdreg $0xFFFFFFFF  }
0xad: {  	[dreg:$0x0] =	wrdreg $0x60  }
0xae: {  	[dreg:$0x2] =	wrdreg s24  }
0xaf: {  	[dreg:$0x3] =	wrdreg $0x9  }
0xb0: {  	_ =	task.clear_ibuf [dreg:s6], $0x4FFFF;
	_ =	strace $0x90000046  }
0xb1: {  	s29 =	simm.s32 $0x9;
	_ =	strace $0x80000048  }
0xb2: {  	_ =	swait.ge [sflag:s29], $0x1  }
0xb3: {  	[sflag:s29] =	ssyncadd.s32 $0xFFFFFFFF  }
0xb4: {  	_ =	strace $0x90000048  }
0xb5: {  	_ =	sfence  }
0xb6: {  	s30 =	sld [smem:$0x0];
	_ =	sdelay $0x2  }
0xb7: {  	s31 =	sshll.u32 s1, $0xD;
	s1 =	sshrl.u32 s1, $0x2  }
0xb8: {  	s3 =	sand.u32 $0x4000, s31;
	s1 =	sadd.s32 s1, s30  }
0xb9: {  	s0 =	sor.u32 s3, s0;
	s1 =	sshll.u32 s1, $0x11  }
0xba: {  	s0 =	sor.u32 s1, s0  }
0xbb: {  	s0 =	sadd.s32 $0x8F2B, s0  }
0xbc: {  	[sflag:s0] =	ssyncadd.remote.s32 $0x1  }
0xbd: {  	_ =	sfence.sel $0xFFFF  }
0xbe: {  	[dreg:$0x0] =	wrdreg $0xFFFFFFFF;
	(pc) =	sbr.abs _section_cstart, $3  }
0xbf: {  	[dreg:$0x1] =	wrdreg $0xFFFFFFFF  }
0xc0: {  	_ =	task.clear_ibuf [dreg:s6], $0x2FFFF;
	_ =	strace $0x9FFFFFFF  }
0xc1: {  	(tm) =	ssettm $0x7FFFFFFF  }
tec
execute0_lowered:
.L_overlay_start_1:
0x0: {  	(tag) =	ssettag $0x1  }
0x1: {  	s1 =	srdreg.scid  }
0x2: {  	s0 =	stileid.u32;
	s4 =	rddreg [dreg:$0x0]  }
0x3: {  	s2 =	simm.s32 $0x0;
	s3 =	sand.u32 $0x1, s1;
	s31 =	sshll.u32 s0, $0x1  }
0x4: {  	s9 =	simm.s32 $0x0;
	s1 =	rddreg [dreg:$0x1];
	s5 =	sor.u32 s3, s31  }
0x5: {  	[smem:$0x7FF] =	sst s2;
	s7 =	ssub.s32 $0x2, s3;
	s6 =	smul.u32 $0x4E2, s5  }
0x6: {  	_ =	strace $0x80000047;
	s5 =	smul.u32 $0x500, s5;
	s8 =	sshrl.u32 s7, $0x1  }
0x7: {  	s3 =	sadd.s32 $0x16200, s4;
	s7 =	ssub.s32 s7, s8;
	s6 =	sadd.s32 s6, s4  }
0x8: {  	s8 =	simm.s32 $0x2780;
	s5 =	sadd.s32 s5, s4;
	s4 =	sadd.s32 $0x2600, s6  }
0x9: {  	v0 =	vimm.f32 $1.000000000e+00;
	s5 =	sadd.s32 $0x16800, s5;
	s6 =	smax.u32 s7, $0x1;
	s7 =	simm.s32 $0x1  }
.LBB2_1:
0xa: {  	[tilespmem:s2], [sflag:$0x1] =	stream.linear.gather [hbm4b:s4+s2], $0x2710, $0x38;
	[tilespmem:$0x4F80] =	vst v63  }
0xb: {  	_ =	swait.ge [sflag:s7], $0x2710  }
0xc: {  	[sflag:s7] =	ssyncset.done $0x0  }
0xd: {  	[sflag:s7] =	ssyncadd.s32 $0xFFFFD8F0  }
0xe: {  	[tilespmem:s8], [sflag:$0x1] =	stream.linear.gather [hbm4b:s3+s2], $0x2800, $0x38;
	[tilespmem:$0x4F80] =	vst v63  }
0xf: {  	_ =	swait.ge [sflag:s7], $0x2800  }
0x10: {  	[sflag:s7] =	ssyncset.done $0x0  }
0x11: {  	s11 =	simm.s32 $0x0;
	s10 =	simm.s32 $0x40;
	[sflag:s7] =	ssyncadd.s32 $0xFFFFD800  }
.LBB2_2:
0x12: {  	p0 =	sne.s32 s10, $0x9C00;
	v1 =	vld [tilespmem:s11+$0x0];
	_ =	sdelay $0x3  }
.Ltmp0:
0x13: {  	(pc) =	sbr.rel @p0 .LBB2_2-.Ltmp0, $2  }
0x14: {  	_ =	sdelay $0x2  }
0x15: {  	s11 =	sshra.s32 s10, $0x2;
	s10 =	sadd.s32 $0x40, s10;
	[tilespmem:v1+s8+$0x0] =	vst.idx.add.f32.msk $0xffff, v0  }
0x16: {  	v1 =	vld [tilespmem:s11+$0x0];
	_ =	sdelay $0x5  }
0x17: {  	s9 =	sadd.s32 $0x1, s9  }
0x18: {  	p0 =	sne.s32 s9, s6  }
.Ltmp1:
0x19: {  	[tilespmem:v1+s8+$0x0] =	vst.idx.add.f32.msk $0xffff, v0;
	(pc) =	sbr.rel @p0 .LBB2_1-.Ltmp1, $4  }
0x1a: {  	[hbm4b:s5+s2] =	stream.linear.scatter [tilespmem:s8], [sflag:$0x1], $0x2800, $0x38;
	[tilespmem:$0x4F80] =	vst v63  }
0x1b: {  	_ =	swait.ge [sflag:s7], $0x2800  }
0x1c: {  	[sflag:s7] =	ssyncset.done $0x0  }
0x1d: {  	[sflag:s7] =	ssyncadd.s32 $0xFFFFD800  }
0x1e: {  	_ =	sfence.sel $0x180000  }
0x1f: {  	[bflag:$0x0] =	sbarrier.arrive $0xFFFF  }
0x20: {  	p0 =	sne.s32 s0, $0x0;
	_ =	strace $0x90000047  }
0x21: {  	s0 =	sadd.s32 @!p0 $0x100000, s1;
	[bflag:$0x2] =	sbarrier.arrive $0xFFFF  }
0x22: {  	[sflag:s0] =	ssyncadd.tile.s32 @!p0 $0x1;
	_ =	shalt  }
.Lfunc_end2:
_tile_overlayer_lowered:
.L_overlay_start_2:
0x23: {  	(tag) =	ssettag $0x2  }
0x24: {  	s0 =	rddreg [dreg:$0x0];
	s2 =	stileid.u32  }
0x25: {  	s1 =	rddreg [dreg:$0x1];
	p0 =	sne.s32 s2, $0x0  }
0x26: {  	s3 =	rddreg [dreg:$0x2];
	[bflag:$0x3] =	sbarrier.arrive $0xFFFF;
	s2 =	simm.s32 @!p0 $0x1C01  }
0x27: {  	[timem:s3], [sflag:s2] =	dma.local @!p0 [hbm:s0], s1  }
0x28: {  	s0 =	simm.s32 @!p0 $0x1  }
0x29: {  	_ =	swait.ge @!p0 [sflag:s0], s1  }
0x2a: {  	s1 =	ssub.s32 @!p0 $0x0, s1;
	[sflag:s0] =	ssyncset.done @!p0 $0x0  }
0x2b: {  	[sflag:s0] =	ssyncadd.s32 @!p0 s1  }
0x2c: {  	[bflag:$0x3] =	sbarrier.arrive $0xFFFF  }
0x2d: {  	_ =	shalt  }

</sc_bundles>
